<compile_context>
chip_gen: v7x
topology: tpu7x:2x2x1
jax: 0.10.2.dev20260603
libtpu: 0.0.44.dev20260713+nightly
codegen_flags: <defaults>
</compile_context>

<pallas_src>
import functools
import jax
import jax.numpy as jnp
from jax import lax
from jax.experimental import pallas as pl
from jax.experimental.pallas import tpu as pltpu
from jax.experimental.pallas import tpu_sc as plsc

NF = 128
H = 200
W = 200
NW = 32
NROWS = (H + NW - 1) // NW


def _sc_pos_enc(col_hbm, rowflat_hbm, out_hbm, bufa_v, bufb_v, rowvec_v,
                sem_a, sem_b):
    wid = lax.axis_index("s") * 2 + lax.axis_index("c")

    pltpu.sync_copy(col_hbm, bufa_v.at[:, pl.ds(0, NF)])
    pltpu.sync_copy(col_hbm, bufb_v.at[:, pl.ds(0, NF)])

    bufs = (bufa_v, bufb_v)
    sems = (sem_a, sem_b)

    def row_of(t):
        return jnp.minimum(t * NW + wid, H - 1)

    def fill_row_half(buf, i):
        pltpu.sync_copy(rowflat_hbm.at[pl.ds(i * NF, NF)], rowvec_v)
        chunks = [rowvec_v[pl.ds(q * 16, 16)] for q in range(NF // 16)]

        def body(r, inner):
            for q in range(NF // 16):
                buf[r, pl.ds(NF + q * 16, 16)] = chunks[q]
            return inner

        lax.fori_loop(0, W, body, 0)

    for t in range(NROWS):
        buf, sem = bufs[t % 2], sems[t % 2]
        if t >= 2:
            iprev = row_of(t - 2)
            pltpu.make_async_copy(
                buf, out_hbm.at[pl.ds(iprev * W, W)], sem).wait()
        i = row_of(t)
        fill_row_half(buf, i)
        pltpu.async_copy(buf, out_hbm.at[pl.ds(i * W, W)], sem)

    for t in (NROWS - 2, NROWS - 1):
        i = row_of(t)
        pltpu.make_async_copy(
            bufs[t % 2], out_hbm.at[pl.ds(i * W, W)], sems[t % 2]).wait()


def kernel(bev_mask, row_embed, col_embed):
    b = bev_mask.shape[0]
    h, w = bev_mask.shape[-2], bev_mask.shape[-1]
    nf = row_embed.shape[1]

    mesh = plsc.VectorSubcoreMesh(core_axis_name="c", subcore_axis_name="s")
    run = functools.partial(
        pl.kernel,
        mesh=mesh,
        out_type=jax.ShapeDtypeStruct((h * w, 2 * nf), jnp.float32),
        scratch_types=[
            pltpu.VMEM((w, 2 * nf), jnp.float32),
            pltpu.VMEM((w, 2 * nf), jnp.float32),
            pltpu.VMEM((nf,), jnp.float32),
            pltpu.SemaphoreType.DMA,
            pltpu.SemaphoreType.DMA,
        ],
    )(_sc_pos_enc)
    pos2d = run(col_embed[:w], row_embed[:h].reshape(-1))
    out = jnp.transpose(pos2d.reshape(h, w, 2 * nf), (2, 0, 1))[None]
    return jnp.broadcast_to(out, (b, 2 * nf, h, w))

# --- scband reference (transcript-rebuilt; emitter-appended) ---
"""Pipeline reference for scband-positional-encoding-nodel-74809740362158 (READ-ONLY COPY).

The authoritative reference and input builder live on the scoring server;
editing this copy changes nothing except your own understanding.
"""

import jax, jax.numpy as jnp
import numpy as np

NUM_FEATS = 128
ROW_NUM_EMBED = 200
COL_NUM_EMBED = 200


def setup_inputs(seed: int = 0) -> dict:
    key = jax.random.key(seed)
    k1, k2 = jax.random.split(key)
    bev_mask = jnp.ones((1, 200, 200), dtype=bool)
    row_embed = jax.random.normal(k1, (ROW_NUM_EMBED, NUM_FEATS), dtype=jnp.float32)
    col_embed = jax.random.normal(k2, (COL_NUM_EMBED, NUM_FEATS), dtype=jnp.float32)
    return {"bev_mask": bev_mask, "row_embed": row_embed, "col_embed": col_embed}


def reference(bev_mask, row_embed, col_embed):
    # Faithful translation of mmdet LearnedPositionalEncoding.forward
    b = bev_mask.shape[0]
    h, w = bev_mask.shape[-2], bev_mask.shape[-1]
    x = jnp.arange(w, dtype=jnp.int32)
    y = jnp.arange(h, dtype=jnp.int32)
    x_embed = jnp.take(col_embed, x, axis=0)  # [w, num_feats]
    y_embed = jnp.take(row_embed, y, axis=0)  # [h, num_feats]
    xe = jnp.broadcast_to(x_embed[None, :, :], (h, w, NUM_FEATS))  # repeat over rows
    ye = jnp.broadcast_to(y_embed[:, None, :], (h, w, NUM_FEATS))  # repeat over cols
    pos = jnp.concatenate([xe, ye], axis=-1)  # [h, w, 2*num_feats]
    pos = jnp.transpose(pos, (2, 0, 1))[None, :, :, :]  # [1, 2*num_feats, h, w]
    pos = jnp.broadcast_to(pos, (b, 2 * NUM_FEATS, h, w))
    return pos

if __name__ == "__main__":
    import jax
    _d = setup_inputs()
    print(jax.jit(kernel)(*tuple(_d.values())))

</pallas_src>

<mosaic_0001>
#map = affine_map<(d0, d1) -> (0, 0)>
#map1 = affine_map<(d0, d1) -> (0)>
module attributes {stable_mosaic.version = 14 : i64} {
  func.func @_sc_pos_enc(%arg0: i32, %arg1: i32, %arg2: memref<200x128xf32, #tpu.memory_space<hbm>>, %arg3: memref<25600xf32, #tpu.memory_space<hbm>>, %arg4: memref<40000x256xf32, #tpu.memory_space<hbm>>, %arg5: memref<200x256xf32, #tpu.memory_space<vmem>>, %arg6: memref<200x256xf32, #tpu.memory_space<vmem>>, %arg7: memref<128xf32, #tpu.memory_space<vmem>>, %arg8: memref<!tpu.dma_semaphore, #tpu.memory_space<semaphore_mem>>, %arg9: memref<!tpu.dma_semaphore, #tpu.memory_space<semaphore_mem>>) attributes {dimension_semantics = [#tpu.dimension_semantics<core_parallel>, #tpu.dimension_semantics<subcore_parallel>], iteration_bounds = array<i64: 2, 16>, scalar_prefetch = 0 : i64, scratch_operands = 5 : i64, tpu.core_type = #tpu.core_type<sc_vector_subcore>, window_params = [{transform_indices = #map}, {transform_indices = #map1}, {transform_indices = #map}]} {
    %mul3A = arith.constant 2 : i32
    %mul3A_0 = arith.muli %arg1, %mul3A : i32
    %add3A = arith.addi %mul3A_0, %arg0 : i32
    "tpu.region"() ({
      %run_scoped3A = tpu.sem_alloc : memref<!tpu.dma_semaphore, #tpu.memory_space<semaphore_mem>>
      %dma_start3A_360 = arith.constant 0 : i32
      %dma_start3A_361 = arith.constant 0 : i32
      %dma_start3A_362 = tpu.memref_slice %arg5[%dma_start3A_360, %dma_start3A_361] : memref<200x256xf32, #tpu.memory_space<vmem>> -> memref<200x128xf32, #tpu.memory_space<vmem>>
      %dma_start3A_363 = arith.constant 0 : i32
      %dma_start3A_364 = arith.constant 0 : i32
      %dma_start3A_365 = tpu.memref_slice %arg5[%dma_start3A_363, %dma_start3A_364] : memref<200x256xf32, #tpu.memory_space<vmem>> -> memref<200x128xf32, #tpu.memory_space<vmem>>
      tpu.enqueue_dma source(%arg2 : memref<200x128xf32, #tpu.memory_space<hbm>>) target(%dma_start3A_365 : memref<200x128xf32, #tpu.memory_space<vmem>>) target_semaphore(%run_scoped3A : memref<!tpu.dma_semaphore, #tpu.memory_space<semaphore_mem>>)
      %dma_wait3A_366 = arith.constant 0 : i32
      %dma_wait3A_367 = arith.constant 0 : i32
      %dma_wait3A_368 = tpu.memref_slice %arg5[%dma_wait3A_366, %dma_wait3A_367] : memref<200x256xf32, #tpu.memory_space<vmem>> -> memref<200x128xf32, #tpu.memory_space<vmem>>
      %dma_wait3A_369 = arith.constant 0 : i32
      %dma_wait3A_370 = arith.constant 0 : i32
      %dma_wait3A_371 = tpu.memref_slice %arg5[%dma_wait3A_369, %dma_wait3A_370] : memref<200x256xf32, #tpu.memory_space<vmem>> -> memref<200x128xf32, #tpu.memory_space<vmem>>
      tpu.wait_dma2 semaphore(%run_scoped3A : memref<!tpu.dma_semaphore, #tpu.memory_space<semaphore_mem>>) src(%arg2 : memref<200x128xf32, #tpu.memory_space<hbm>>) dst(%dma_wait3A_371 : memref<200x128xf32, #tpu.memory_space<vmem>>)
      tpu.yield
    }) : () -> ()
    "tpu.region"() ({
      %run_scoped3A = tpu.sem_alloc : memref<!tpu.dma_semaphore, #tpu.memory_space<semaphore_mem>>
      %dma_start3A_360 = arith.constant 0 : i32
      %dma_start3A_361 = arith.constant 0 : i32
      %dma_start3A_362 = tpu.memref_slice %arg6[%dma_start3A_360, %dma_start3A_361] : memref<200x256xf32, #tpu.memory_space<vmem>> -> memref<200x128xf32, #tpu.memory_space<vmem>>
      %dma_start3A_363 = arith.constant 0 : i32
      %dma_start3A_364 = arith.constant 0 : i32
      %dma_start3A_365 = tpu.memref_slice %arg6[%dma_start3A_363, %dma_start3A_364] : memref<200x256xf32, #tpu.memory_space<vmem>> -> memref<200x128xf32, #tpu.memory_space<vmem>>
      tpu.enqueue_dma source(%arg2 : memref<200x128xf32, #tpu.memory_space<hbm>>) target(%dma_start3A_365 : memref<200x128xf32, #tpu.memory_space<vmem>>) target_semaphore(%run_scoped3A : memref<!tpu.dma_semaphore, #tpu.memory_space<semaphore_mem>>)
      %dma_wait3A_366 = arith.constant 0 : i32
      %dma_wait3A_367 = arith.constant 0 : i32
      %dma_wait3A_368 = tpu.memref_slice %arg6[%dma_wait3A_366, %dma_wait3A_367] : memref<200x256xf32, #tpu.memory_space<vmem>> -> memref<200x128xf32, #tpu.memory_space<vmem>>
      %dma_wait3A_369 = arith.constant 0 : i32
      %dma_wait3A_370 = arith.constant 0 : i32
      %dma_wait3A_371 = tpu.memref_slice %arg6[%dma_wait3A_369, %dma_wait3A_370] : memref<200x256xf32, #tpu.memory_space<vmem>> -> memref<200x128xf32, #tpu.memory_space<vmem>>
      tpu.wait_dma2 semaphore(%run_scoped3A : memref<!tpu.dma_semaphore, #tpu.memory_space<semaphore_mem>>) src(%arg2 : memref<200x128xf32, #tpu.memory_space<hbm>>) dst(%dma_wait3A_371 : memref<200x128xf32, #tpu.memory_space<vmem>>)
      tpu.yield
    }) : () -> ()
    %add3A_1 = arith.constant 0 : i32
    %add3A_2 = arith.addi %add3A_1, %add3A : i32
    %min3A = arith.constant 199 : i32
    %min3A_3 = arith.minsi %add3A_2, %min3A : i32
    %mul3A_4 = arith.constant 128 : i32
    %mul3A_5 = arith.muli %min3A_3, %mul3A_4 : i32
    "tpu.region"() ({
      %run_scoped3A = tpu.sem_alloc : memref<!tpu.dma_semaphore, #tpu.memory_space<semaphore_mem>>
      %dma_start3A_360 = tpu.memref_slice %arg3[%mul3A_5] : memref<25600xf32, #tpu.memory_space<hbm>> -> memref<128xf32, #tpu.memory_space<hbm>>
      %dma_start3A_361 = tpu.memref_slice %arg3[%mul3A_5] : memref<25600xf32, #tpu.memory_space<hbm>> -> memref<128xf32, #tpu.memory_space<hbm>>
      tpu.enqueue_dma source(%dma_start3A_361 : memref<128xf32, #tpu.memory_space<hbm>>) target(%arg7 : memref<128xf32, #tpu.memory_space<vmem>>) target_semaphore(%run_scoped3A : memref<!tpu.dma_semaphore, #tpu.memory_space<semaphore_mem>>)
      %dma_wait3A_362 = tpu.memref_slice %arg3[%mul3A_5] : memref<25600xf32, #tpu.memory_space<hbm>> -> memref<128xf32, #tpu.memory_space<hbm>>
      %dma_wait3A_363 = tpu.memref_slice %arg3[%mul3A_5] : memref<25600xf32, #tpu.memory_space<hbm>> -> memref<128xf32, #tpu.memory_space<hbm>>
      tpu.wait_dma2 semaphore(%run_scoped3A : memref<!tpu.dma_semaphore, #tpu.memory_space<semaphore_mem>>) src(%dma_wait3A_363 : memref<128xf32, #tpu.memory_space<hbm>>) dst(%arg7 : memref<128xf32, #tpu.memory_space<vmem>>)
      tpu.yield
    }) : () -> ()
    %get3A = arith.constant 0 : index
    %get3A_6 = tpu.vector_load %arg7[%get3A] {strides = array<i32>} : memref<128xf32, #tpu.memory_space<vmem>>, vector<16xf32>,
    %get3A_7 = vector.shape_cast %get3A_6 : vector<16xf32> to vector<16xf32>
    %get3A_8 = arith.constant 16 : index
    %get3A_9 = tpu.vector_load %arg7[%get3A_8] {strides = array<i32>} : memref<128xf32, #tpu.memory_space<vmem>>, vector<16xf32>,
    %get3A_10 = vector.shape_cast %get3A_9 : vector<16xf32> to vector<16xf32>
    %get3A_11 = arith.constant 32 : index
    %get3A_12 = tpu.vector_load %arg7[%get3A_11] {strides = array<i32>} : memref<128xf32, #tpu.memory_space<vmem>>, vector<16xf32>,
    %get3A_13 = vector.shape_cast %get3A_12 : vector<16xf32> to vector<16xf32>
    %get3A_14 = arith.constant 48 : index
    %get3A_15 = tpu.vector_load %arg7[%get3A_14] {strides = array<i32>} : memref<128xf32, #tpu.memory_space<vmem>>, vector<16xf32>,
    %get3A_16 = vector.shape_cast %get3A_15 : vector<16xf32> to vector<16xf32>
    %get3A_17 = arith.constant 64 : index
    %get3A_18 = tpu.vector_load %arg7[%get3A_17] {strides = array<i32>} : memref<128xf32, #tpu.memory_space<vmem>>, vector<16xf32>,
    %get3A_19 = vector.shape_cast %get3A_18 : vector<16xf32> to vector<16xf32>
    %get3A_20 = arith.constant 80 : index
    %get3A_21 = tpu.vector_load %arg7[%get3A_20] {strides = array<i32>} : memref<128xf32, #tpu.memory_space<vmem>>, vector<16xf32>,
    %get3A_22 = vector.shape_cast %get3A_21 : vector<16xf32> to vector<16xf32>
    %get3A_23 = arith.constant 96 : index
    %get3A_24 = tpu.vector_load %arg7[%get3A_23] {strides = array<i32>} : memref<128xf32, #tpu.memory_space<vmem>>, vector<16xf32>,
    %get3A_25 = vector.shape_cast %get3A_24 : vector<16xf32> to vector<16xf32>
    %get3A_26 = arith.constant 112 : index
    %get3A_27 = tpu.vector_load %arg7[%get3A_26] {strides = array<i32>} : memref<128xf32, #tpu.memory_space<vmem>>, vector<16xf32>,
    %get3A_28 = vector.shape_cast %get3A_27 : vector<16xf32> to vector<16xf32>
    %scan3A = arith.constant 0 : i32
    %scan3A_29 = arith.constant 0 : i32
    %scan3A_30 = arith.constant 200 : i32
    %scan3A_31 = arith.addi %scan3A_29, %scan3A_30 : i32
    %scan3A_32 = arith.constant 1 : i32
    scf.for %scan3A_360 = %scan3A_29 to %scan3A_31 step %scan3A_32  : i32 {
      %swap3A = arith.index_cast %scan3A_360 : i32 to index
      %swap3A_361 = arith.constant 128 : index
      %swap3A_362 = tpu.vector_load %arg5[%swap3A, %swap3A_361] {strides = array<i32>} : memref<200x256xf32, #tpu.memory_space<vmem>>, vector<1x16xf32>,
      %swap3A_363 = vector.shape_cast %swap3A_362 : vector<1x16xf32> to vector<16xf32>
      %swap3A_364 = vector.shape_cast %get3A_7 : vector<16xf32> to vector<1x16xf32>
      tpu.vector_store %arg5[%swap3A, %swap3A_361], %swap3A_364 {strides = array<i32>} : memref<200x256xf32, #tpu.memory_space<vmem>>, vector<1x16xf32>,
      %swap3A_365 = arith.index_cast %scan3A_360 : i32 to index
      %swap3A_366 = arith.constant 144 : index
      %swap3A_367 = tpu.vector_load %arg5[%swap3A_365, %swap3A_366] {strides = array<i32>} : memref<200x256xf32, #tpu.memory_space<vmem>>, vector<1x16xf32>,
      %swap3A_368 = vector.shape_cast %swap3A_367 : vector<1x16xf32> to vector<16xf32>
      %swap3A_369 = vector.shape_cast %get3A_10 : vector<16xf32> to vector<1x16xf32>
      tpu.vector_store %arg5[%swap3A_365, %swap3A_366], %swap3A_369 {strides = array<i32>} : memref<200x256xf32, #tpu.memory_space<vmem>>, vector<1x16xf32>,
      %swap3A_370 = arith.index_cast %scan3A_360 : i32 to index
      %swap3A_371 = arith.constant 160 : index
      %swap3A_372 = tpu.vector_load %arg5[%swap3A_370, %swap3A_371] {strides = array<i32>} : memref<200x256xf32, #tpu.memory_space<vmem>>, vector<1x16xf32>,
      %swap3A_373 = vector.shape_cast %swap3A_372 : vector<1x16xf32> to vector<16xf32>
      %swap3A_374 = vector.shape_cast %get3A_13 : vector<16xf32> to vector<1x16xf32>
      tpu.vector_store %arg5[%swap3A_370, %swap3A_371], %swap3A_374 {strides = array<i32>} : memref<200x256xf32, #tpu.memory_space<vmem>>, vector<1x16xf32>,
      %swap3A_375 = arith.index_cast %scan3A_360 : i32 to index
      %swap3A_376 = arith.constant 176 : index
      %swap3A_377 = tpu.vector_load %arg5[%swap3A_375, %swap3A_376] {strides = array<i32>} : memref<200x256xf32, #tpu.memory_space<vmem>>, vector<1x16xf32>,
      %swap3A_378 = vector.shape_cast %swap3A_377 : vector<1x16xf32> to vector<16xf32>
      %swap3A_379 = vector.shape_cast %get3A_16 : vector<16xf32> to vector<1x16xf32>
      tpu.vector_store %arg5[%swap3A_375, %swap3A_376], %swap3A_379 {strides = array<i32>} : memref<200x256xf32, #tpu.memory_space<vmem>>, vector<1x16xf32>,
      %swap3A_380 = arith.index_cast %scan3A_360 : i32 to index
      %swap3A_381 = arith.constant 192 : index
      %swap3A_382 = tpu.vector_load %arg5[%swap3A_380, %swap3A_381] {strides = array<i32>} : memref<200x256xf32, #tpu.memory_space<vmem>>, vector<1x16xf32>,
      %swap3A_383 = vector.shape_cast %swap3A_382 : vector<1x16xf32> to vector<16xf32>
      %swap3A_384 = vector.shape_cast %get3A_19 : vector<16xf32> to vector<1x16xf32>
      tpu.vector_store %arg5[%swap3A_380, %swap3A_381], %swap3A_384 {strides = array<i32>} : memref<200x256xf32, #tpu.memory_space<vmem>>, vector<1x16xf32>,
      %swap3A_385 = arith.index_cast %scan3A_360 : i32 to index
      %swap3A_386 = arith.constant 208 : index
      %swap3A_387 = tpu.vector_load %arg5[%swap3A_385, %swap3A_386] {strides = array<i32>} : memref<200x256xf32, #tpu.memory_space<vmem>>, vector<1x16xf32>,
      %swap3A_388 = vector.shape_cast %swap3A_387 : vector<1x16xf32> to vector<16xf32>
      %swap3A_389 = vector.shape_cast %get3A_22 : vector<16xf32> to vector<1x16xf32>
      tpu.vector_store %arg5[%swap3A_385, %swap3A_386], %swap3A_389 {strides = array<i32>} : memref<200x256xf32, #tpu.memory_space<vmem>>, vector<1x16xf32>,
      %swap3A_390 = arith.index_cast %scan3A_360 : i32 to index
      %swap3A_391 = arith.constant 224 : index
      %swap3A_392 = tpu.vector_load %arg5[%swap3A_390, %swap3A_391] {strides = array<i32>} : memref<200x256xf32, #tpu.memory_space<vmem>>, vector<1x16xf32>,
      %swap3A_393 = vector.shape_cast %swap3A_392 : vector<1x16xf32> to vector<16xf32>
      %swap3A_394 = vector.shape_cast %get3A_25 : vector<16xf32> to vector<1x16xf32>
      tpu.vector_store %arg5[%swap3A_390, %swap3A_391], %swap3A_394 {strides = array<i32>} : memref<200x256xf32, #tpu.memory_space<vmem>>, vector<1x16xf32>,
      %swap3A_395 = arith.index_cast %scan3A_360 : i32 to index
      %swap3A_396 = arith.constant 240 : index
      %swap3A_397 = tpu.vector_load %arg5[%swap3A_395, %swap3A_396] {strides = array<i32>} : memref<200x256xf32, #tpu.memory_space<vmem>>, vector<1x16xf32>,
      %swap3A_398 = vector.shape_cast %swap3A_397 : vector<1x16xf32> to vector<16xf32>
      %swap3A_399 = vector.shape_cast %get3A_28 : vector<16xf32> to vector<1x16xf32>
      tpu.vector_store %arg5[%swap3A_395, %swap3A_396], %swap3A_399 {strides = array<i32>} : memref<200x256xf32, #tpu.memory_space<vmem>>, vector<1x16xf32>,
    }
    %scan3A_33 = arith.constant 200 : i32
    %mul3A_34 = arith.constant 200 : i32
    %mul3A_35 = arith.muli %min3A_3, %mul3A_34 : i32
    %dma_start3A = arith.constant 0 : i32
    %dma_start3A_36 = tpu.memref_slice %arg4[%mul3A_35, %dma_start3A] : memref<40000x256xf32, #tpu.memory_space<hbm>> -> memref<200x256xf32, #tpu.memory_space<hbm>>
    %dma_start3A_37 = arith.constant 0 : i32
    %dma_start3A_38 = tpu.memref_slice %arg4[%mul3A_35, %dma_start3A_37] : memref<40000x256xf32, #tpu.memory_space<hbm>> -> memref<200x256xf32, #tpu.memory_space<hbm>>
    tpu.enqueue_dma source(%arg5 : memref<200x256xf32, #tpu.memory_space<vmem>>) target(%dma_start3A_38 : memref<200x256xf32, #tpu.memory_space<hbm>>) target_semaphore(%arg8 : memref<!tpu.dma_semaphore, #tpu.memory_space<semaphore_mem>>)
    %add3A_39 = arith.constant 32 : i32
    %add3A_40 = arith.addi %add3A_39, %add3A : i32
    %min3A_41 = arith.constant 199 : i32
    %min3A_42 = arith.minsi %add3A_40, %min3A_41 : i32
    %mul3A_43 = arith.constant 128 : i32
    %mul3A_44 = arith.muli %min3A_42, %mul3A_43 : i32
    "tpu.region"() ({
      %run_scoped3A = tpu.sem_alloc : memref<!tpu.dma_semaphore, #tpu.memory_space<semaphore_mem>>
      %dma_start3A_360 = tpu.memref_slice %arg3[%mul3A_44] : memref<25600xf32, #tpu.memory_space<hbm>> -> memref<128xf32, #tpu.memory_space<hbm>>
      %dma_start3A_361 = tpu.memref_slice %arg3[%mul3A_44] : memref<25600xf32, #tpu.memory_space<hbm>> -> memref<128xf32, #tpu.memory_space<hbm>>
      tpu.enqueue_dma source(%dma_start3A_361 : memref<128xf32, #tpu.memory_space<hbm>>) target(%arg7 : memref<128xf32, #tpu.memory_space<vmem>>) target_semaphore(%run_scoped3A : memref<!tpu.dma_semaphore, #tpu.memory_space<semaphore_mem>>)
      %dma_wait3A_362 = tpu.memref_slice %arg3[%mul3A_44] : memref<25600xf32, #tpu.memory_space<hbm>> -> memref<128xf32, #tpu.memory_space<hbm>>
      %dma_wait3A_363 = tpu.memref_slice %arg3[%mul3A_44] : memref<25600xf32, #tpu.memory_space<hbm>> -> memref<128xf32, #tpu.memory_space<hbm>>
      tpu.wait_dma2 semaphore(%run_scoped3A : memref<!tpu.dma_semaphore, #tpu.memory_space<semaphore_mem>>) src(%dma_wait3A_363 : memref<128xf32, #tpu.memory_space<hbm>>) dst(%arg7 : memref<128xf32, #tpu.memory_space<vmem>>)
      tpu.yield
    }) : () -> ()
    %get3A_45 = arith.constant 0 : index
    %get3A_46 = tpu.vector_load %arg7[%get3A_45] {strides = array<i32>} : memref<128xf32, #tpu.memory_space<vmem>>, vector<16xf32>,
    %get3A_47 = vector.shape_cast %get3A_46 : vector<16xf32> to vector<16xf32>
    %get3A_48 = arith.constant 16 : index
    %get3A_49 = tpu.vector_load %arg7[%get3A_48] {strides = array<i32>} : memref<128xf32, #tpu.memory_space<vmem>>, vector<16xf32>,
    %get3A_50 = vector.shape_cast %get3A_49 : vector<16xf32> to vector<16xf32>
    %get3A_51 = arith.constant 32 : index
    %get3A_52 = tpu.vector_load %arg7[%get3A_51] {strides = array<i32>} : memref<128xf32, #tpu.memory_space<vmem>>, vector<16xf32>,
    %get3A_53 = vector.shape_cast %get3A_52 : vector<16xf32> to vector<16xf32>
    %get3A_54 = arith.constant 48 : index
    %get3A_55 = tpu.vector_load %arg7[%get3A_54] {strides = array<i32>} : memref<128xf32, #tpu.memory_space<vmem>>, vector<16xf32>,
    %get3A_56 = vector.shape_cast %get3A_55 : vector<16xf32> to vector<16xf32>
    %get3A_57 = arith.constant 64 : index
    %get3A_58 = tpu.vector_load %arg7[%get3A_57] {strides = array<i32>} : memref<128xf32, #tpu.memory_space<vmem>>, vector<16xf32>,
    %get3A_59 = vector.shape_cast %get3A_58 : vector<16xf32> to vector<16xf32>
    %get3A_60 = arith.constant 80 : index
    %get3A_61 = tpu.vector_load %arg7[%get3A_60] {strides = array<i32>} : memref<128xf32, #tpu.memory_space<vmem>>, vector<16xf32>,
    %get3A_62 = vector.shape_cast %get3A_61 : vector<16xf32> to vector<16xf32>
    %get3A_63 = arith.constant 96 : index
    %get3A_64 = tpu.vector_load %arg7[%get3A_63] {strides = array<i32>} : memref<128xf32, #tpu.memory_space<vmem>>, vector<16xf32>,
    %get3A_65 = vector.shape_cast %get3A_64 : vector<16xf32> to vector<16xf32>
    %get3A_66 = arith.constant 112 : index
    %get3A_67 = tpu.vector_load %arg7[%get3A_66] {strides = array<i32>} : memref<128xf32, #tpu.memory_space<vmem>>, vector<16xf32>,
    %get3A_68 = vector.shape_cast %get3A_67 : vector<16xf32> to vector<16xf32>
    %scan3A_69 = arith.constant 0 : i32
    %scan3A_70 = arith.constant 0 : i32
    %scan3A_71 = arith.constant 200 : i32
    %scan3A_72 = arith.addi %scan3A_70, %scan3A_71 : i32
    %scan3A_73 = arith.constant 1 : i32
    scf.for %scan3A_360 = %scan3A_70 to %scan3A_72 step %scan3A_73  : i32 {
      %swap3A = arith.index_cast %scan3A_360 : i32 to index
      %swap3A_361 = arith.constant 128 : index
      %swap3A_362 = tpu.vector_load %arg6[%swap3A, %swap3A_361] {strides = array<i32>} : memref<200x256xf32, #tpu.memory_space<vmem>>, vector<1x16xf32>,
      %swap3A_363 = vector.shape_cast %swap3A_362 : vector<1x16xf32> to vector<16xf32>
      %swap3A_364 = vector.shape_cast %get3A_47 : vector<16xf32> to vector<1x16xf32>
      tpu.vector_store %arg6[%swap3A, %swap3A_361], %swap3A_364 {strides = array<i32>} : memref<200x256xf32, #tpu.memory_space<vmem>>, vector<1x16xf32>,
      %swap3A_365 = arith.index_cast %scan3A_360 : i32 to index
      %swap3A_366 = arith.constant 144 : index
      %swap3A_367 = tpu.vector_load %arg6[%swap3A_365, %swap3A_366] {strides = array<i32>} : memref<200x256xf32, #tpu.memory_space<vmem>>, vector<1x16xf32>,
      %swap3A_368 = vector.shape_cast %swap3A_367 : vector<1x16xf32> to vector<16xf32>
      %swap3A_369 = vector.shape_cast %get3A_50 : vector<16xf32> to vector<1x16xf32>
      tpu.vector_store %arg6[%swap3A_365, %swap3A_366], %swap3A_369 {strides = array<i32>} : memref<200x256xf32, #tpu.memory_space<vmem>>, vector<1x16xf32>,
      %swap3A_370 = arith.index_cast %scan3A_360 : i32 to index
      %swap3A_371 = arith.constant 160 : index
      %swap3A_372 = tpu.vector_load %arg6[%swap3A_370, %swap3A_371] {strides = array<i32>} : memref<200x256xf32, #tpu.memory_space<vmem>>, vector<1x16xf32>,
      %swap3A_373 = vector.shape_cast %swap3A_372 : vector<1x16xf32> to vector<16xf32>
      %swap3A_374 = vector.shape_cast %get3A_53 : vector<16xf32> to vector<1x16xf32>
      tpu.vector_store %arg6[%swap3A_370, %swap3A_371], %swap3A_374 {strides = array<i32>} : memref<200x256xf32, #tpu.memory_space<vmem>>, vector<1x16xf32>,
      %swap3A_375 = arith.index_cast %scan3A_360 : i32 to index
      %swap3A_376 = arith.constant 176 : index
      %swap3A_377 = tpu.vector_load %arg6[%swap3A_375, %swap3A_376] {strides = array<i32>} : memref<200x256xf32, #tpu.memory_space<vmem>>, vector<1x16xf32>,
      %swap3A_378 = vector.shape_cast %swap3A_377 : vector<1x16xf32> to vector<16xf32>
      %swap3A_379 = vector.shape_cast %get3A_56 : vector<16xf32> to vector<1x16xf32>
      tpu.vector_store %arg6[%swap3A_375, %swap3A_376], %swap3A_379 {strides = array<i32>} : memref<200x256xf32, #tpu.memory_space<vmem>>, vector<1x16xf32>,
      %swap3A_380 = arith.index_cast %scan3A_360 : i32 to index
      %swap3A_381 = arith.constant 192 : index
      %swap3A_382 = tpu.vector_load %arg6[%swap3A_380, %swap3A_381] {strides = array<i32>} : memref<200x256xf32, #tpu.memory_space<vmem>>, vector<1x16xf32>,
      %swap3A_383 = vector.shape_cast %swap3A_382 : vector<1x16xf32> to vector<16xf32>
      %swap3A_384 = vector.shape_cast %get3A_59 : vector<16xf32> to vector<1x16xf32>
      tpu.vector_store %arg6[%swap3A_380, %swap3A_381], %swap3A_384 {strides = array<i32>} : memref<200x256xf32, #tpu.memory_space<vmem>>, vector<1x16xf32>,
      %swap3A_385 = arith.index_cast %scan3A_360 : i32 to index
      %swap3A_386 = arith.constant 208 : index
      %swap3A_387 = tpu.vector_load %arg6[%swap3A_385, %swap3A_386] {strides = array<i32>} : memref<200x256xf32, #tpu.memory_space<vmem>>, vector<1x16xf32>,
      %swap3A_388 = vector.shape_cast %swap3A_387 : vector<1x16xf32> to vector<16xf32>
      %swap3A_389 = vector.shape_cast %get3A_62 : vector<16xf32> to vector<1x16xf32>
      tpu.vector_store %arg6[%swap3A_385, %swap3A_386], %swap3A_389 {strides = array<i32>} : memref<200x256xf32, #tpu.memory_space<vmem>>, vector<1x16xf32>,
      %swap3A_390 = arith.index_cast %scan3A_360 : i32 to index
      %swap3A_391 = arith.constant 224 : index
      %swap3A_392 = tpu.vector_load %arg6[%swap3A_390, %swap3A_391] {strides = array<i32>} : memref<200x256xf32, #tpu.memory_space<vmem>>, vector<1x16xf32>,
      %swap3A_393 = vector.shape_cast %swap3A_392 : vector<1x16xf32> to vector<16xf32>
      %swap3A_394 = vector.shape_cast %get3A_65 : vector<16xf32> to vector<1x16xf32>
      tpu.vector_store %arg6[%swap3A_390, %swap3A_391], %swap3A_394 {strides = array<i32>} : memref<200x256xf32, #tpu.memory_space<vmem>>, vector<1x16xf32>,
      %swap3A_395 = arith.index_cast %scan3A_360 : i32 to index
      %swap3A_396 = arith.constant 240 : index
      %swap3A_397 = tpu.vector_load %arg6[%swap3A_395, %swap3A_396] {strides = array<i32>} : memref<200x256xf32, #tpu.memory_space<vmem>>, vector<1x16xf32>,
      %swap3A_398 = vector.shape_cast %swap3A_397 : vector<1x16xf32> to vector<16xf32>
      %swap3A_399 = vector.shape_cast %get3A_68 : vector<16xf32> to vector<1x16xf32>
      tpu.vector_store %arg6[%swap3A_395, %swap3A_396], %swap3A_399 {strides = array<i32>} : memref<200x256xf32, #tpu.memory_space<vmem>>, vector<1x16xf32>,
    }
    %scan3A_74 = arith.constant 200 : i32
    %mul3A_75 = arith.constant 200 : i32
    %mul3A_76 = arith.muli %min3A_42, %mul3A_75 : i32
    %dma_start3A_77 = arith.constant 0 : i32
    %dma_start3A_78 = tpu.memref_slice %arg4[%mul3A_76, %dma_start3A_77] : memref<40000x256xf32, #tpu.memory_space<hbm>> -> memref<200x256xf32, #tpu.memory_space<hbm>>
    %dma_start3A_79 = arith.constant 0 : i32
    %dma_start3A_80 = tpu.memref_slice %arg4[%mul3A_76, %dma_start3A_79] : memref<40000x256xf32, #tpu.memory_space<hbm>> -> memref<200x256xf32, #tpu.memory_space<hbm>>
    tpu.enqueue_dma source(%arg6 : memref<200x256xf32, #tpu.memory_space<vmem>>) target(%dma_start3A_80 : memref<200x256xf32, #tpu.memory_space<hbm>>) target_semaphore(%arg9 : memref<!tpu.dma_semaphore, #tpu.memory_space<semaphore_mem>>)
    %add3A_81 = arith.constant 0 : i32
    %add3A_82 = arith.addi %add3A_81, %add3A : i32
    %min3A_83 = arith.constant 199 : i32
    %min3A_84 = arith.minsi %add3A_82, %min3A_83 : i32
    %mul3A_85 = arith.constant 200 : i32
    %mul3A_86 = arith.muli %min3A_84, %mul3A_85 : i32
    %dma_wait3A = arith.constant 0 : i32
    %dma_wait3A_87 = tpu.memref_slice %arg4[%mul3A_86, %dma_wait3A] : memref<40000x256xf32, #tpu.memory_space<hbm>> -> memref<200x256xf32, #tpu.memory_space<hbm>>
    %dma_wait3A_88 = arith.constant 0 : i32
    %dma_wait3A_89 = tpu.memref_slice %arg4[%mul3A_86, %dma_wait3A_88] : memref<40000x256xf32, #tpu.memory_space<hbm>> -> memref<200x256xf32, #tpu.memory_space<hbm>>
    tpu.wait_dma2 semaphore(%arg8 : memref<!tpu.dma_semaphore, #tpu.memory_space<semaphore_mem>>) src(%arg5 : memref<200x256xf32, #tpu.memory_space<vmem>>) dst(%dma_wait3A_89 : memref<200x256xf32, #tpu.memory_space<hbm>>)
    %add3A_90 = arith.constant 64 : i32
    %add3A_91 = arith.addi %add3A_90, %add3A : i32
    %min3A_92 = arith.constant 199 : i32
    %min3A_93 = arith.minsi %add3A_91, %min3A_92 : i32
    %mul3A_94 = arith.constant 128 : i32
    %mul3A_95 = arith.muli %min3A_93, %mul3A_94 : i32
    "tpu.region"() ({
      %run_scoped3A = tpu.sem_alloc : memref<!tpu.dma_semaphore, #tpu.memory_space<semaphore_mem>>
      %dma_start3A_360 = tpu.memref_slice %arg3[%mul3A_95] : memref<25600xf32, #tpu.memory_space<hbm>> -> memref<128xf32, #tpu.memory_space<hbm>>
      %dma_start3A_361 = tpu.memref_slice %arg3[%mul3A_95] : memref<25600xf32, #tpu.memory_space<hbm>> -> memref<128xf32, #tpu.memory_space<hbm>>
      tpu.enqueue_dma source(%dma_start3A_361 : memref<128xf32, #tpu.memory_space<hbm>>) target(%arg7 : memref<128xf32, #tpu.memory_space<vmem>>) target_semaphore(%run_scoped3A : memref<!tpu.dma_semaphore, #tpu.memory_space<semaphore_mem>>)
      %dma_wait3A_362 = tpu.memref_slice %arg3[%mul3A_95] : memref<25600xf32, #tpu.memory_space<hbm>> -> memref<128xf32, #tpu.memory_space<hbm>>
      %dma_wait3A_363 = tpu.memref_slice %arg3[%mul3A_95] : memref<25600xf32, #tpu.memory_space<hbm>> -> memref<128xf32, #tpu.memory_space<hbm>>
      tpu.wait_dma2 semaphore(%run_scoped3A : memref<!tpu.dma_semaphore, #tpu.memory_space<semaphore_mem>>) src(%dma_wait3A_363 : memref<128xf32, #tpu.memory_space<hbm>>) dst(%arg7 : memref<128xf32, #tpu.memory_space<vmem>>)
      tpu.yield
    }) : () -> ()
    %get3A_96 = arith.constant 0 : index
    %get3A_97 = tpu.vector_load %arg7[%get3A_96] {strides = array<i32>} : memref<128xf32, #tpu.memory_space<vmem>>, vector<16xf32>,
    %get3A_98 = vector.shape_cast %get3A_97 : vector<16xf32> to vector<16xf32>
    %get3A_99 = arith.constant 16 : index
    %get3A_100 = tpu.vector_load %arg7[%get3A_99] {strides = array<i32>} : memref<128xf32, #tpu.memory_space<vmem>>, vector<16xf32>,
    %get3A_101 = vector.shape_cast %get3A_100 : vector<16xf32> to vector<16xf32>
    %get3A_102 = arith.constant 32 : index
    %get3A_103 = tpu.vector_load %arg7[%get3A_102] {strides = array<i32>} : memref<128xf32, #tpu.memory_space<vmem>>, vector<16xf32>,
    %get3A_104 = vector.shape_cast %get3A_103 : vector<16xf32> to vector<16xf32>
    %get3A_105 = arith.constant 48 : index
    %get3A_106 = tpu.vector_load %arg7[%get3A_105] {strides = array<i32>} : memref<128xf32, #tpu.memory_space<vmem>>, vector<16xf32>,
    %get3A_107 = vector.shape_cast %get3A_106 : vector<16xf32> to vector<16xf32>
    %get3A_108 = arith.constant 64 : index
    %get3A_109 = tpu.vector_load %arg7[%get3A_108] {strides = array<i32>} : memref<128xf32, #tpu.memory_space<vmem>>, vector<16xf32>,
    %get3A_110 = vector.shape_cast %get3A_109 : vector<16xf32> to vector<16xf32>
    %get3A_111 = arith.constant 80 : index
    %get3A_112 = tpu.vector_load %arg7[%get3A_111] {strides = array<i32>} : memref<128xf32, #tpu.memory_space<vmem>>, vector<16xf32>,
    %get3A_113 = vector.shape_cast %get3A_112 : vector<16xf32> to vector<16xf32>
    %get3A_114 = arith.constant 96 : index
    %get3A_115 = tpu.vector_load %arg7[%get3A_114] {strides = array<i32>} : memref<128xf32, #tpu.memory_space<vmem>>, vector<16xf32>,
    %get3A_116 = vector.shape_cast %get3A_115 : vector<16xf32> to vector<16xf32>
    %get3A_117 = arith.constant 112 : index
    %get3A_118 = tpu.vector_load %arg7[%get3A_117] {strides = array<i32>} : memref<128xf32, #tpu.memory_space<vmem>>, vector<16xf32>,
    %get3A_119 = vector.shape_cast %get3A_118 : vector<16xf32> to vector<16xf32>
    %scan3A_120 = arith.constant 0 : i32
    %scan3A_121 = arith.constant 0 : i32
    %scan3A_122 = arith.constant 200 : i32
    %scan3A_123 = arith.addi %scan3A_121, %scan3A_122 : i32
    %scan3A_124 = arith.constant 1 : i32
    scf.for %scan3A_360 = %scan3A_121 to %scan3A_123 step %scan3A_124  : i32 {
      %swap3A = arith.index_cast %scan3A_360 : i32 to index
      %swap3A_361 = arith.constant 128 : index
      %swap3A_362 = tpu.vector_load %arg5[%swap3A, %swap3A_361] {strides = array<i32>} : memref<200x256xf32, #tpu.memory_space<vmem>>, vector<1x16xf32>,
      %swap3A_363 = vector.shape_cast %swap3A_362 : vector<1x16xf32> to vector<16xf32>
      %swap3A_364 = vector.shape_cast %get3A_98 : vector<16xf32> to vector<1x16xf32>
      tpu.vector_store %arg5[%swap3A, %swap3A_361], %swap3A_364 {strides = array<i32>} : memref<200x256xf32, #tpu.memory_space<vmem>>, vector<1x16xf32>,
      %swap3A_365 = arith.index_cast %scan3A_360 : i32 to index
      %swap3A_366 = arith.constant 144 : index
      %swap3A_367 = tpu.vector_load %arg5[%swap3A_365, %swap3A_366] {strides = array<i32>} : memref<200x256xf32, #tpu.memory_space<vmem>>, vector<1x16xf32>,
      %swap3A_368 = vector.shape_cast %swap3A_367 : vector<1x16xf32> to vector<16xf32>
      %swap3A_369 = vector.shape_cast %get3A_101 : vector<16xf32> to vector<1x16xf32>
      tpu.vector_store %arg5[%swap3A_365, %swap3A_366], %swap3A_369 {strides = array<i32>} : memref<200x256xf32, #tpu.memory_space<vmem>>, vector<1x16xf32>,
      %swap3A_370 = arith.index_cast %scan3A_360 : i32 to index
      %swap3A_371 = arith.constant 160 : index
      %swap3A_372 = tpu.vector_load %arg5[%swap3A_370, %swap3A_371] {strides = array<i32>} : memref<200x256xf32, #tpu.memory_space<vmem>>, vector<1x16xf32>,
      %swap3A_373 = vector.shape_cast %swap3A_372 : vector<1x16xf32> to vector<16xf32>
      %swap3A_374 = vector.shape_cast %get3A_104 : vector<16xf32> to vector<1x16xf32>
      tpu.vector_store %arg5[%swap3A_370, %swap3A_371], %swap3A_374 {strides = array<i32>} : memref<200x256xf32, #tpu.memory_space<vmem>>, vector<1x16xf32>,
      %swap3A_375 = arith.index_cast %scan3A_360 : i32 to index
      %swap3A_376 = arith.constant 176 : index
      %swap3A_377 = tpu.vector_load %arg5[%swap3A_375, %swap3A_376] {strides = array<i32>} : memref<200x256xf32, #tpu.memory_space<vmem>>, vector<1x16xf32>,
      %swap3A_378 = vector.shape_cast %swap3A_377 : vector<1x16xf32> to vector<16xf32>
      %swap3A_379 = vector.shape_cast %get3A_107 : vector<16xf32> to vector<1x16xf32>
      tpu.vector_store %arg5[%swap3A_375, %swap3A_376], %swap3A_379 {strides = array<i32>} : memref<200x256xf32, #tpu.memory_space<vmem>>, vector<1x16xf32>,
      %swap3A_380 = arith.index_cast %scan3A_360 : i32 to index
      %swap3A_381 = arith.constant 192 : index
      %swap3A_382 = tpu.vector_load %arg5[%swap3A_380, %swap3A_381] {strides = array<i32>} : memref<200x256xf32, #tpu.memory_space<vmem>>, vector<1x16xf32>,
      %swap3A_383 = vector.shape_cast %swap3A_382 : vector<1x16xf32> to vector<16xf32>
      %swap3A_384 = vector.shape_cast %get3A_110 : vector<16xf32> to vector<1x16xf32>
      tpu.vector_store %arg5[%swap3A_380, %swap3A_381], %swap3A_384 {strides = array<i32>} : memref<200x256xf32, #tpu.memory_space<vmem>>, vector<1x16xf32>,
      %swap3A_385 = arith.index_cast %scan3A_360 : i32 to index
      %swap3A_386 = arith.constant 208 : index
      %swap3A_387 = tpu.vector_load %arg5[%swap3A_385, %swap3A_386] {strides = array<i32>} : memref<200x256xf32, #tpu.memory_space<vmem>>, vector<1x16xf32>,
      %swap3A_388 = vector.shape_cast %swap3A_387 : vector<1x16xf32> to vector<16xf32>
      %swap3A_389 = vector.shape_cast %get3A_113 : vector<16xf32> to vector<1x16xf32>
      tpu.vector_store %arg5[%swap3A_385, %swap3A_386], %swap3A_389 {strides = array<i32>} : memref<200x256xf32, #tpu.memory_space<vmem>>, vector<1x16xf32>,
      %swap3A_390 = arith.index_cast %scan3A_360 : i32 to index
      %swap3A_391 = arith.constant 224 : index
      %swap3A_392 = tpu.vector_load %arg5[%swap3A_390, %swap3A_391] {strides = array<i32>} : memref<200x256xf32, #tpu.memory_space<vmem>>, vector<1x16xf32>,
      %swap3A_393 = vector.shape_cast %swap3A_392 : vector<1x16xf32> to vector<16xf32>
      %swap3A_394 = vector.shape_cast %get3A_116 : vector<16xf32> to vector<1x16xf32>
      tpu.vector_store %arg5[%swap3A_390, %swap3A_391], %swap3A_394 {strides = array<i32>} : memref<200x256xf32, #tpu.memory_space<vmem>>, vector<1x16xf32>,
      %swap3A_395 = arith.index_cast %scan3A_360 : i32 to index
      %swap3A_396 = arith.constant 240 : index
      %swap3A_397 = tpu.vector_load %arg5[%swap3A_395, %swap3A_396] {strides = array<i32>} : memref<200x256xf32, #tpu.memory_space<vmem>>, vector<1x16xf32>,
      %swap3A_398 = vector.shape_cast %swap3A_397 : vector<1x16xf32> to vector<16xf32>
      %swap3A_399 = vector.shape_cast %get3A_119 : vector<16xf32> to vector<1x16xf32>
      tpu.vector_store %arg5[%swap3A_395, %swap3A_396], %swap3A_399 {strides = array<i32>} : memref<200x256xf32, #tpu.memory_space<vmem>>, vector<1x16xf32>,
    }
    %scan3A_125 = arith.constant 200 : i32
    %mul3A_126 = arith.constant 200 : i32
    %mul3A_127 = arith.muli %min3A_93, %mul3A_126 : i32
    %dma_start3A_128 = arith.constant 0 : i32
    %dma_start3A_129 = tpu.memref_slice %arg4[%mul3A_127, %dma_start3A_128] : memref<40000x256xf32, #tpu.memory_space<hbm>> -> memref<200x256xf32, #tpu.memory_space<hbm>>
    %dma_start3A_130 = arith.constant 0 : i32
    %dma_start3A_131 = tpu.memref_slice %arg4[%mul3A_127, %dma_start3A_130] : memref<40000x256xf32, #tpu.memory_space<hbm>> -> memref<200x256xf32, #tpu.memory_space<hbm>>
    tpu.enqueue_dma source(%arg5 : memref<200x256xf32, #tpu.memory_space<vmem>>) target(%dma_start3A_131 : memref<200x256xf32, #tpu.memory_space<hbm>>) target_semaphore(%arg8 : memref<!tpu.dma_semaphore, #tpu.memory_space<semaphore_mem>>)
    %add3A_132 = arith.constant 32 : i32
    %add3A_133 = arith.addi %add3A_132, %add3A : i32
    %min3A_134 = arith.constant 199 : i32
    %min3A_135 = arith.minsi %add3A_133, %min3A_134 : i32
    %mul3A_136 = arith.constant 200 : i32
    %mul3A_137 = arith.muli %min3A_135, %mul3A_136 : i32
    %dma_wait3A_138 = arith.constant 0 : i32
    %dma_wait3A_139 = tpu.memref_slice %arg4[%mul3A_137, %dma_wait3A_138] : memref<40000x256xf32, #tpu.memory_space<hbm>> -> memref<200x256xf32, #tpu.memory_space<hbm>>
    %dma_wait3A_140 = arith.constant 0 : i32
    %dma_wait3A_141 = tpu.memref_slice %arg4[%mul3A_137, %dma_wait3A_140] : memref<40000x256xf32, #tpu.memory_space<hbm>> -> memref<200x256xf32, #tpu.memory_space<hbm>>
    tpu.wait_dma2 semaphore(%arg9 : memref<!tpu.dma_semaphore, #tpu.memory_space<semaphore_mem>>) src(%arg6 : memref<200x256xf32, #tpu.memory_space<vmem>>) dst(%dma_wait3A_141 : memref<200x256xf32, #tpu.memory_space<hbm>>)
    %add3A_142 = arith.constant 96 : i32
    %add3A_143 = arith.addi %add3A_142, %add3A : i32
    %min3A_144 = arith.constant 199 : i32
    %min3A_145 = arith.minsi %add3A_143, %min3A_144 : i32
    %mul3A_146 = arith.constant 128 : i32
    %mul3A_147 = arith.muli %min3A_145, %mul3A_146 : i32
    "tpu.region"() ({
      %run_scoped3A = tpu.sem_alloc : memref<!tpu.dma_semaphore, #tpu.memory_space<semaphore_mem>>
      %dma_start3A_360 = tpu.memref_slice %arg3[%mul3A_147] : memref<25600xf32, #tpu.memory_space<hbm>> -> memref<128xf32, #tpu.memory_space<hbm>>
      %dma_start3A_361 = tpu.memref_slice %arg3[%mul3A_147] : memref<25600xf32, #tpu.memory_space<hbm>> -> memref<128xf32, #tpu.memory_space<hbm>>
      tpu.enqueue_dma source(%dma_start3A_361 : memref<128xf32, #tpu.memory_space<hbm>>) target(%arg7 : memref<128xf32, #tpu.memory_space<vmem>>) target_semaphore(%run_scoped3A : memref<!tpu.dma_semaphore, #tpu.memory_space<semaphore_mem>>)
      %dma_wait3A_362 = tpu.memref_slice %arg3[%mul3A_147] : memref<25600xf32, #tpu.memory_space<hbm>> -> memref<128xf32, #tpu.memory_space<hbm>>
      %dma_wait3A_363 = tpu.memref_slice %arg3[%mul3A_147] : memref<25600xf32, #tpu.memory_space<hbm>> -> memref<128xf32, #tpu.memory_space<hbm>>
      tpu.wait_dma2 semaphore(%run_scoped3A : memref<!tpu.dma_semaphore, #tpu.memory_space<semaphore_mem>>) src(%dma_wait3A_363 : memref<128xf32, #tpu.memory_space<hbm>>) dst(%arg7 : memref<128xf32, #tpu.memory_space<vmem>>)
      tpu.yield
    }) : () -> ()
    %get3A_148 = arith.constant 0 : index
    %get3A_149 = tpu.vector_load %arg7[%get3A_148] {strides = array<i32>} : memref<128xf32, #tpu.memory_space<vmem>>, vector<16xf32>,
    %get3A_150 = vector.shape_cast %get3A_149 : vector<16xf32> to vector<16xf32>
    %get3A_151 = arith.constant 16 : index
    %get3A_152 = tpu.vector_load %arg7[%get3A_151] {strides = array<i32>} : memref<128xf32, #tpu.memory_space<vmem>>, vector<16xf32>,
    %get3A_153 = vector.shape_cast %get3A_152 : vector<16xf32> to vector<16xf32>
    %get3A_154 = arith.constant 32 : index
    %get3A_155 = tpu.vector_load %arg7[%get3A_154] {strides = array<i32>} : memref<128xf32, #tpu.memory_space<vmem>>, vector<16xf32>,
    %get3A_156 = vector.shape_cast %get3A_155 : vector<16xf32> to vector<16xf32>
    %get3A_157 = arith.constant 48 : index
    %get3A_158 = tpu.vector_load %arg7[%get3A_157] {strides = array<i32>} : memref<128xf32, #tpu.memory_space<vmem>>, vector<16xf32>,
    %get3A_159 = vector.shape_cast %get3A_158 : vector<16xf32> to vector<16xf32>
    %get3A_160 = arith.constant 64 : index
    %get3A_161 = tpu.vector_load %arg7[%get3A_160] {strides = array<i32>} : memref<128xf32, #tpu.memory_space<vmem>>, vector<16xf32>,
    %get3A_162 = vector.shape_cast %get3A_161 : vector<16xf32> to vector<16xf32>
    %get3A_163 = arith.constant 80 : index
    %get3A_164 = tpu.vector_load %arg7[%get3A_163] {strides = array<i32>} : memref<128xf32, #tpu.memory_space<vmem>>, vector<16xf32>,
    %get3A_165 = vector.shape_cast %get3A_164 : vector<16xf32> to vector<16xf32>
    %get3A_166 = arith.constant 96 : index
    %get3A_167 = tpu.vector_load %arg7[%get3A_166] {strides = array<i32>} : memref<128xf32, #tpu.memory_space<vmem>>, vector<16xf32>,
    %get3A_168 = vector.shape_cast %get3A_167 : vector<16xf32> to vector<16xf32>
    %get3A_169 = arith.constant 112 : index
    %get3A_170 = tpu.vector_load %arg7[%get3A_169] {strides = array<i32>} : memref<128xf32, #tpu.memory_space<vmem>>, vector<16xf32>,
    %get3A_171 = vector.shape_cast %get3A_170 : vector<16xf32> to vector<16xf32>
    %scan3A_172 = arith.constant 0 : i32
    %scan3A_173 = arith.constant 0 : i32
    %scan3A_174 = arith.constant 200 : i32
    %scan3A_175 = arith.addi %scan3A_173, %scan3A_174 : i32
    %scan3A_176 = arith.constant 1 : i32
    scf.for %scan3A_360 = %scan3A_173 to %scan3A_175 step %scan3A_176  : i32 {
      %swap3A = arith.index_cast %scan3A_360 : i32 to index
      %swap3A_361 = arith.constant 128 : index
      %swap3A_362 = tpu.vector_load %arg6[%swap3A, %swap3A_361] {strides = array<i32>} : memref<200x256xf32, #tpu.memory_space<vmem>>, vector<1x16xf32>,
      %swap3A_363 = vector.shape_cast %swap3A_362 : vector<1x16xf32> to vector<16xf32>
      %swap3A_364 = vector.shape_cast %get3A_150 : vector<16xf32> to vector<1x16xf32>
      tpu.vector_store %arg6[%swap3A, %swap3A_361], %swap3A_364 {strides = array<i32>} : memref<200x256xf32, #tpu.memory_space<vmem>>, vector<1x16xf32>,
      %swap3A_365 = arith.index_cast %scan3A_360 : i32 to index
      %swap3A_366 = arith.constant 144 : index
      %swap3A_367 = tpu.vector_load %arg6[%swap3A_365, %swap3A_366] {strides = array<i32>} : memref<200x256xf32, #tpu.memory_space<vmem>>, vector<1x16xf32>,
      %swap3A_368 = vector.shape_cast %swap3A_367 : vector<1x16xf32> to vector<16xf32>
      %swap3A_369 = vector.shape_cast %get3A_153 : vector<16xf32> to vector<1x16xf32>
      tpu.vector_store %arg6[%swap3A_365, %swap3A_366], %swap3A_369 {strides = array<i32>} : memref<200x256xf32, #tpu.memory_space<vmem>>, vector<1x16xf32>,
      %swap3A_370 = arith.index_cast %scan3A_360 : i32 to index
      %swap3A_371 = arith.constant 160 : index
      %swap3A_372 = tpu.vector_load %arg6[%swap3A_370, %swap3A_371] {strides = array<i32>} : memref<200x256xf32, #tpu.memory_space<vmem>>, vector<1x16xf32>,
      %swap3A_373 = vector.shape_cast %swap3A_372 : vector<1x16xf32> to vector<16xf32>
      %swap3A_374 = vector.shape_cast %get3A_156 : vector<16xf32> to vector<1x16xf32>
      tpu.vector_store %arg6[%swap3A_370, %swap3A_371], %swap3A_374 {strides = array<i32>} : memref<200x256xf32, #tpu.memory_space<vmem>>, vector<1x16xf32>,
      %swap3A_375 = arith.index_cast %scan3A_360 : i32 to index
      %swap3A_376 = arith.constant 176 : index
      %swap3A_377 = tpu.vector_load %arg6[%swap3A_375, %swap3A_376] {strides = array<i32>} : memref<200x256xf32, #tpu.memory_space<vmem>>, vector<1x16xf32>,
      %swap3A_378 = vector.shape_cast %swap3A_377 : vector<1x16xf32> to vector<16xf32>
      %swap3A_379 = vector.shape_cast %get3A_159 : vector<16xf32> to vector<1x16xf32>
      tpu.vector_store %arg6[%swap3A_375, %swap3A_376], %swap3A_379 {strides = array<i32>} : memref<200x256xf32, #tpu.memory_space<vmem>>, vector<1x16xf32>,
      %swap3A_380 = arith.index_cast %scan3A_360 : i32 to index
      %swap3A_381 = arith.constant 192 : index
      %swap3A_382 = tpu.vector_load %arg6[%swap3A_380, %swap3A_381] {strides = array<i32>} : memref<200x256xf32, #tpu.memory_space<vmem>>, vector<1x16xf32>,
      %swap3A_383 = vector.shape_cast %swap3A_382 : vector<1x16xf32> to vector<16xf32>
      %swap3A_384 = vector.shape_cast %get3A_162 : vector<16xf32> to vector<1x16xf32>
      tpu.vector_store %arg6[%swap3A_380, %swap3A_381], %swap3A_384 {strides = array<i32>} : memref<200x256xf32, #tpu.memory_space<vmem>>, vector<1x16xf32>,
      %swap3A_385 = arith.index_cast %scan3A_360 : i32 to index
      %swap3A_386 = arith.constant 208 : index
      %swap3A_387 = tpu.vector_load %arg6[%swap3A_385, %swap3A_386] {strides = array<i32>} : memref<200x256xf32, #tpu.memory_space<vmem>>, vector<1x16xf32>,
      %swap3A_388 = vector.shape_cast %swap3A_387 : vector<1x16xf32> to vector<16xf32>
      %swap3A_389 = vector.shape_cast %get3A_165 : vector<16xf32> to vector<1x16xf32>
      tpu.vector_store %arg6[%swap3A_385, %swap3A_386], %swap3A_389 {strides = array<i32>} : memref<200x256xf32, #tpu.memory_space<vmem>>, vector<1x16xf32>,
      %swap3A_390 = arith.index_cast %scan3A_360 : i32 to index
      %swap3A_391 = arith.constant 224 : index
      %swap3A_392 = tpu.vector_load %arg6[%swap3A_390, %swap3A_391] {strides = array<i32>} : memref<200x256xf32, #tpu.memory_space<vmem>>, vector<1x16xf32>,
      %swap3A_393 = vector.shape_cast %swap3A_392 : vector<1x16xf32> to vector<16xf32>
      %swap3A_394 = vector.shape_cast %get3A_168 : vector<16xf32> to vector<1x16xf32>
      tpu.vector_store %arg6[%swap3A_390, %swap3A_391], %swap3A_394 {strides = array<i32>} : memref<200x256xf32, #tpu.memory_space<vmem>>, vector<1x16xf32>,
      %swap3A_395 = arith.index_cast %scan3A_360 : i32 to index
      %swap3A_396 = arith.constant 240 : index
      %swap3A_397 = tpu.vector_load %arg6[%swap3A_395, %swap3A_396] {strides = array<i32>} : memref<200x256xf32, #tpu.memory_space<vmem>>, vector<1x16xf32>,
      %swap3A_398 = vector.shape_cast %swap3A_397 : vector<1x16xf32> to vector<16xf32>
      %swap3A_399 = vector.shape_cast %get3A_171 : vector<16xf32> to vector<1x16xf32>
      tpu.vector_store %arg6[%swap3A_395, %swap3A_396], %swap3A_399 {strides = array<i32>} : memref<200x256xf32, #tpu.memory_space<vmem>>, vector<1x16xf32>,
    }
    %scan3A_177 = arith.constant 200 : i32
    %mul3A_178 = arith.constant 200 : i32
    %mul3A_179 = arith.muli %min3A_145, %mul3A_178 : i32
    %dma_start3A_180 = arith.constant 0 : i32
    %dma_start3A_181 = tpu.memref_slice %arg4[%mul3A_179, %dma_start3A_180] : memref<40000x256xf32, #tpu.memory_space<hbm>> -> memref<200x256xf32, #tpu.memory_space<hbm>>
    %dma_start3A_182 = arith.constant 0 : i32
    %dma_start3A_183 = tpu.memref_slice %arg4[%mul3A_179, %dma_start3A_182] : memref<40000x256xf32, #tpu.memory_space<hbm>> -> memref<200x256xf32, #tpu.memory_space<hbm>>
    tpu.enqueue_dma source(%arg6 : memref<200x256xf32, #tpu.memory_space<vmem>>) target(%dma_start3A_183 : memref<200x256xf32, #tpu.memory_space<hbm>>) target_semaphore(%arg9 : memref<!tpu.dma_semaphore, #tpu.memory_space<semaphore_mem>>)
    %add3A_184 = arith.constant 64 : i32
    %add3A_185 = arith.addi %add3A_184, %add3A : i32
    %min3A_186 = arith.constant 199 : i32
    %min3A_187 = arith.minsi %add3A_185, %min3A_186 : i32
    %mul3A_188 = arith.constant 200 : i32
    %mul3A_189 = arith.muli %min3A_187, %mul3A_188 : i32
    %dma_wait3A_190 = arith.constant 0 : i32
    %dma_wait3A_191 = tpu.memref_slice %arg4[%mul3A_189, %dma_wait3A_190] : memref<40000x256xf32, #tpu.memory_space<hbm>> -> memref<200x256xf32, #tpu.memory_space<hbm>>
    %dma_wait3A_192 = arith.constant 0 : i32
    %dma_wait3A_193 = tpu.memref_slice %arg4[%mul3A_189, %dma_wait3A_192] : memref<40000x256xf32, #tpu.memory_space<hbm>> -> memref<200x256xf32, #tpu.memory_space<hbm>>
    tpu.wait_dma2 semaphore(%arg8 : memref<!tpu.dma_semaphore, #tpu.memory_space<semaphore_mem>>) src(%arg5 : memref<200x256xf32, #tpu.memory_space<vmem>>) dst(%dma_wait3A_193 : memref<200x256xf32, #tpu.memory_space<hbm>>)
    %add3A_194 = arith.constant 128 : i32
    %add3A_195 = arith.addi %add3A_194, %add3A : i32
    %min3A_196 = arith.constant 199 : i32
    %min3A_197 = arith.minsi %add3A_195, %min3A_196 : i32
    %mul3A_198 = arith.constant 128 : i32
    %mul3A_199 = arith.muli %min3A_197, %mul3A_198 : i32
    "tpu.region"() ({
      %run_scoped3A = tpu.sem_alloc : memref<!tpu.dma_semaphore, #tpu.memory_space<semaphore_mem>>
      %dma_start3A_360 = tpu.memref_slice %arg3[%mul3A_199] : memref<25600xf32, #tpu.memory_space<hbm>> -> memref<128xf32, #tpu.memory_space<hbm>>
      %dma_start3A_361 = tpu.memref_slice %arg3[%mul3A_199] : memref<25600xf32, #tpu.memory_space<hbm>> -> memref<128xf32, #tpu.memory_space<hbm>>
      tpu.enqueue_dma source(%dma_start3A_361 : memref<128xf32, #tpu.memory_space<hbm>>) target(%arg7 : memref<128xf32, #tpu.memory_space<vmem>>) target_semaphore(%run_scoped3A : memref<!tpu.dma_semaphore, #tpu.memory_space<semaphore_mem>>)
      %dma_wait3A_362 = tpu.memref_slice %arg3[%mul3A_199] : memref<25600xf32, #tpu.memory_space<hbm>> -> memref<128xf32, #tpu.memory_space<hbm>>
      %dma_wait3A_363 = tpu.memref_slice %arg3[%mul3A_199] : memref<25600xf32, #tpu.memory_space<hbm>> -> memref<128xf32, #tpu.memory_space<hbm>>
      tpu.wait_dma2 semaphore(%run_scoped3A : memref<!tpu.dma_semaphore, #tpu.memory_space<semaphore_mem>>) src(%dma_wait3A_363 : memref<128xf32, #tpu.memory_space<hbm>>) dst(%arg7 : memref<128xf32, #tpu.memory_space<vmem>>)
      tpu.yield
    }) : () -> ()
    %get3A_200 = arith.constant 0 : index
    %get3A_201 = tpu.vector_load %arg7[%get3A_200] {strides = array<i32>} : memref<128xf32, #tpu.memory_space<vmem>>, vector<16xf32>,
    %get3A_202 = vector.shape_cast %get3A_201 : vector<16xf32> to vector<16xf32>
    %get3A_203 = arith.constant 16 : index
    %get3A_204 = tpu.vector_load %arg7[%get3A_203] {strides = array<i32>} : memref<128xf32, #tpu.memory_space<vmem>>, vector<16xf32>,
    %get3A_205 = vector.shape_cast %get3A_204 : vector<16xf32> to vector<16xf32>
    %get3A_206 = arith.constant 32 : index
    %get3A_207 = tpu.vector_load %arg7[%get3A_206] {strides = array<i32>} : memref<128xf32, #tpu.memory_space<vmem>>, vector<16xf32>,
    %get3A_208 = vector.shape_cast %get3A_207 : vector<16xf32> to vector<16xf32>
    %get3A_209 = arith.constant 48 : index
    %get3A_210 = tpu.vector_load %arg7[%get3A_209] {strides = array<i32>} : memref<128xf32, #tpu.memory_space<vmem>>, vector<16xf32>,
    %get3A_211 = vector.shape_cast %get3A_210 : vector<16xf32> to vector<16xf32>
    %get3A_212 = arith.constant 64 : index
    %get3A_213 = tpu.vector_load %arg7[%get3A_212] {strides = array<i32>} : memref<128xf32, #tpu.memory_space<vmem>>, vector<16xf32>,
    %get3A_214 = vector.shape_cast %get3A_213 : vector<16xf32> to vector<16xf32>
    %get3A_215 = arith.constant 80 : index
    %get3A_216 = tpu.vector_load %arg7[%get3A_215] {strides = array<i32>} : memref<128xf32, #tpu.memory_space<vmem>>, vector<16xf32>,
    %get3A_217 = vector.shape_cast %get3A_216 : vector<16xf32> to vector<16xf32>
    %get3A_218 = arith.constant 96 : index
    %get3A_219 = tpu.vector_load %arg7[%get3A_218] {strides = array<i32>} : memref<128xf32, #tpu.memory_space<vmem>>, vector<16xf32>,
    %get3A_220 = vector.shape_cast %get3A_219 : vector<16xf32> to vector<16xf32>
    %get3A_221 = arith.constant 112 : index
    %get3A_222 = tpu.vector_load %arg7[%get3A_221] {strides = array<i32>} : memref<128xf32, #tpu.memory_space<vmem>>, vector<16xf32>,
    %get3A_223 = vector.shape_cast %get3A_222 : vector<16xf32> to vector<16xf32>
    %scan3A_224 = arith.constant 0 : i32
    %scan3A_225 = arith.constant 0 : i32
    %scan3A_226 = arith.constant 200 : i32
    %scan3A_227 = arith.addi %scan3A_225, %scan3A_226 : i32
    %scan3A_228 = arith.constant 1 : i32
    scf.for %scan3A_360 = %scan3A_225 to %scan3A_227 step %scan3A_228  : i32 {
      %swap3A = arith.index_cast %scan3A_360 : i32 to index
      %swap3A_361 = arith.constant 128 : index
      %swap3A_362 = tpu.vector_load %arg5[%swap3A, %swap3A_361] {strides = array<i32>} : memref<200x256xf32, #tpu.memory_space<vmem>>, vector<1x16xf32>,
      %swap3A_363 = vector.shape_cast %swap3A_362 : vector<1x16xf32> to vector<16xf32>
      %swap3A_364 = vector.shape_cast %get3A_202 : vector<16xf32> to vector<1x16xf32>
      tpu.vector_store %arg5[%swap3A, %swap3A_361], %swap3A_364 {strides = array<i32>} : memref<200x256xf32, #tpu.memory_space<vmem>>, vector<1x16xf32>,
      %swap3A_365 = arith.index_cast %scan3A_360 : i32 to index
      %swap3A_366 = arith.constant 144 : index
      %swap3A_367 = tpu.vector_load %arg5[%swap3A_365, %swap3A_366] {strides = array<i32>} : memref<200x256xf32, #tpu.memory_space<vmem>>, vector<1x16xf32>,
      %swap3A_368 = vector.shape_cast %swap3A_367 : vector<1x16xf32> to vector<16xf32>
      %swap3A_369 = vector.shape_cast %get3A_205 : vector<16xf32> to vector<1x16xf32>
      tpu.vector_store %arg5[%swap3A_365, %swap3A_366], %swap3A_369 {strides = array<i32>} : memref<200x256xf32, #tpu.memory_space<vmem>>, vector<1x16xf32>,
      %swap3A_370 = arith.index_cast %scan3A_360 : i32 to index
      %swap3A_371 = arith.constant 160 : index
      %swap3A_372 = tpu.vector_load %arg5[%swap3A_370, %swap3A_371] {strides = array<i32>} : memref<200x256xf32, #tpu.memory_space<vmem>>, vector<1x16xf32>,
      %swap3A_373 = vector.shape_cast %swap3A_372 : vector<1x16xf32> to vector<16xf32>
      %swap3A_374 = vector.shape_cast %get3A_208 : vector<16xf32> to vector<1x16xf32>
      tpu.vector_store %arg5[%swap3A_370, %swap3A_371], %swap3A_374 {strides = array<i32>} : memref<200x256xf32, #tpu.memory_space<vmem>>, vector<1x16xf32>,
      %swap3A_375 = arith.index_cast %scan3A_360 : i32 to index
      %swap3A_376 = arith.constant 176 : index
      %swap3A_377 = tpu.vector_load %arg5[%swap3A_375, %swap3A_376] {strides = array<i32>} : memref<200x256xf32, #tpu.memory_space<vmem>>, vector<1x16xf32>,
      %swap3A_378 = vector.shape_cast %swap3A_377 : vector<1x16xf32> to vector<16xf32>
      %swap3A_379 = vector.shape_cast %get3A_211 : vector<16xf32> to vector<1x16xf32>
      tpu.vector_store %arg5[%swap3A_375, %swap3A_376], %swap3A_379 {strides = array<i32>} : memref<200x256xf32, #tpu.memory_space<vmem>>, vector<1x16xf32>,
      %swap3A_380 = arith.index_cast %scan3A_360 : i32 to index
      %swap3A_381 = arith.constant 192 : index
      %swap3A_382 = tpu.vector_load %arg5[%swap3A_380, %swap3A_381] {strides = array<i32>} : memref<200x256xf32, #tpu.memory_space<vmem>>, vector<1x16xf32>,
      %swap3A_383 = vector.shape_cast %swap3A_382 : vector<1x16xf32> to vector<16xf32>
      %swap3A_384 = vector.shape_cast %get3A_214 : vector<16xf32> to vector<1x16xf32>
      tpu.vector_store %arg5[%swap3A_380, %swap3A_381], %swap3A_384 {strides = array<i32>} : memref<200x256xf32, #tpu.memory_space<vmem>>, vector<1x16xf32>,
      %swap3A_385 = arith.index_cast %scan3A_360 : i32 to index
      %swap3A_386 = arith.constant 208 : index
      %swap3A_387 = tpu.vector_load %arg5[%swap3A_385, %swap3A_386] {strides = array<i32>} : memref<200x256xf32, #tpu.memory_space<vmem>>, vector<1x16xf32>,
      %swap3A_388 = vector.shape_cast %swap3A_387 : vector<1x16xf32> to vector<16xf32>
      %swap3A_389 = vector.shape_cast %get3A_217 : vector<16xf32> to vector<1x16xf32>
      tpu.vector_store %arg5[%swap3A_385, %swap3A_386], %swap3A_389 {strides = array<i32>} : memref<200x256xf32, #tpu.memory_space<vmem>>, vector<1x16xf32>,
      %swap3A_390 = arith.index_cast %scan3A_360 : i32 to index
      %swap3A_391 = arith.constant 224 : index
      %swap3A_392 = tpu.vector_load %arg5[%swap3A_390, %swap3A_391] {strides = array<i32>} : memref<200x256xf32, #tpu.memory_space<vmem>>, vector<1x16xf32>,
      %swap3A_393 = vector.shape_cast %swap3A_392 : vector<1x16xf32> to vector<16xf32>
      %swap3A_394 = vector.shape_cast %get3A_220 : vector<16xf32> to vector<1x16xf32>
      tpu.vector_store %arg5[%swap3A_390, %swap3A_391], %swap3A_394 {strides = array<i32>} : memref<200x256xf32, #tpu.memory_space<vmem>>, vector<1x16xf32>,
      %swap3A_395 = arith.index_cast %scan3A_360 : i32 to index
      %swap3A_396 = arith.constant 240 : index
      %swap3A_397 = tpu.vector_load %arg5[%swap3A_395, %swap3A_396] {strides = array<i32>} : memref<200x256xf32, #tpu.memory_space<vmem>>, vector<1x16xf32>,
      %swap3A_398 = vector.shape_cast %swap3A_397 : vector<1x16xf32> to vector<16xf32>
      %swap3A_399 = vector.shape_cast %get3A_223 : vector<16xf32> to vector<1x16xf32>
      tpu.vector_store %arg5[%swap3A_395, %swap3A_396], %swap3A_399 {strides = array<i32>} : memref<200x256xf32, #tpu.memory_space<vmem>>, vector<1x16xf32>,
    }
    %scan3A_229 = arith.constant 200 : i32
    %mul3A_230 = arith.constant 200 : i32
    %mul3A_231 = arith.muli %min3A_197, %mul3A_230 : i32
    %dma_start3A_232 = arith.constant 0 : i32
    %dma_start3A_233 = tpu.memref_slice %arg4[%mul3A_231, %dma_start3A_232] : memref<40000x256xf32, #tpu.memory_space<hbm>> -> memref<200x256xf32, #tpu.memory_space<hbm>>
    %dma_start3A_234 = arith.constant 0 : i32
    %dma_start3A_235 = tpu.memref_slice %arg4[%mul3A_231, %dma_start3A_234] : memref<40000x256xf32, #tpu.memory_space<hbm>> -> memref<200x256xf32, #tpu.memory_space<hbm>>
    tpu.enqueue_dma source(%arg5 : memref<200x256xf32, #tpu.memory_space<vmem>>) target(%dma_start3A_235 : memref<200x256xf32, #tpu.memory_space<hbm>>) target_semaphore(%arg8 : memref<!tpu.dma_semaphore, #tpu.memory_space<semaphore_mem>>)
    %add3A_236 = arith.constant 96 : i32
    %add3A_237 = arith.addi %add3A_236, %add3A : i32
    %min3A_238 = arith.constant 199 : i32
    %min3A_239 = arith.minsi %add3A_237, %min3A_238 : i32
    %mul3A_240 = arith.constant 200 : i32
    %mul3A_241 = arith.muli %min3A_239, %mul3A_240 : i32
    %dma_wait3A_242 = arith.constant 0 : i32
    %dma_wait3A_243 = tpu.memref_slice %arg4[%mul3A_241, %dma_wait3A_242] : memref<40000x256xf32, #tpu.memory_space<hbm>> -> memref<200x256xf32, #tpu.memory_space<hbm>>
    %dma_wait3A_244 = arith.constant 0 : i32
    %dma_wait3A_245 = tpu.memref_slice %arg4[%mul3A_241, %dma_wait3A_244] : memref<40000x256xf32, #tpu.memory_space<hbm>> -> memref<200x256xf32, #tpu.memory_space<hbm>>
    tpu.wait_dma2 semaphore(%arg9 : memref<!tpu.dma_semaphore, #tpu.memory_space<semaphore_mem>>) src(%arg6 : memref<200x256xf32, #tpu.memory_space<vmem>>) dst(%dma_wait3A_245 : memref<200x256xf32, #tpu.memory_space<hbm>>)
    %add3A_246 = arith.constant 160 : i32
    %add3A_247 = arith.addi %add3A_246, %add3A : i32
    %min3A_248 = arith.constant 199 : i32
    %min3A_249 = arith.minsi %add3A_247, %min3A_248 : i32
    %mul3A_250 = arith.constant 128 : i32
    %mul3A_251 = arith.muli %min3A_249, %mul3A_250 : i32
    "tpu.region"() ({
      %run_scoped3A = tpu.sem_alloc : memref<!tpu.dma_semaphore, #tpu.memory_space<semaphore_mem>>
      %dma_start3A_360 = tpu.memref_slice %arg3[%mul3A_251] : memref<25600xf32, #tpu.memory_space<hbm>> -> memref<128xf32, #tpu.memory_space<hbm>>
      %dma_start3A_361 = tpu.memref_slice %arg3[%mul3A_251] : memref<25600xf32, #tpu.memory_space<hbm>> -> memref<128xf32, #tpu.memory_space<hbm>>
      tpu.enqueue_dma source(%dma_start3A_361 : memref<128xf32, #tpu.memory_space<hbm>>) target(%arg7 : memref<128xf32, #tpu.memory_space<vmem>>) target_semaphore(%run_scoped3A : memref<!tpu.dma_semaphore, #tpu.memory_space<semaphore_mem>>)
      %dma_wait3A_362 = tpu.memref_slice %arg3[%mul3A_251] : memref<25600xf32, #tpu.memory_space<hbm>> -> memref<128xf32, #tpu.memory_space<hbm>>
      %dma_wait3A_363 = tpu.memref_slice %arg3[%mul3A_251] : memref<25600xf32, #tpu.memory_space<hbm>> -> memref<128xf32, #tpu.memory_space<hbm>>
      tpu.wait_dma2 semaphore(%run_scoped3A : memref<!tpu.dma_semaphore, #tpu.memory_space<semaphore_mem>>) src(%dma_wait3A_363 : memref<128xf32, #tpu.memory_space<hbm>>) dst(%arg7 : memref<128xf32, #tpu.memory_space<vmem>>)
      tpu.yield
    }) : () -> ()
    %get3A_252 = arith.constant 0 : index
    %get3A_253 = tpu.vector_load %arg7[%get3A_252] {strides = array<i32>} : memref<128xf32, #tpu.memory_space<vmem>>, vector<16xf32>,
    %get3A_254 = vector.shape_cast %get3A_253 : vector<16xf32> to vector<16xf32>
    %get3A_255 = arith.constant 16 : index
    %get3A_256 = tpu.vector_load %arg7[%get3A_255] {strides = array<i32>} : memref<128xf32, #tpu.memory_space<vmem>>, vector<16xf32>,
    %get3A_257 = vector.shape_cast %get3A_256 : vector<16xf32> to vector<16xf32>
    %get3A_258 = arith.constant 32 : index
    %get3A_259 = tpu.vector_load %arg7[%get3A_258] {strides = array<i32>} : memref<128xf32, #tpu.memory_space<vmem>>, vector<16xf32>,
    %get3A_260 = vector.shape_cast %get3A_259 : vector<16xf32> to vector<16xf32>
    %get3A_261 = arith.constant 48 : index
    %get3A_262 = tpu.vector_load %arg7[%get3A_261] {strides = array<i32>} : memref<128xf32, #tpu.memory_space<vmem>>, vector<16xf32>,
    %get3A_263 = vector.shape_cast %get3A_262 : vector<16xf32> to vector<16xf32>
    %get3A_264 = arith.constant 64 : index
    %get3A_265 = tpu.vector_load %arg7[%get3A_264] {strides = array<i32>} : memref<128xf32, #tpu.memory_space<vmem>>, vector<16xf32>,
    %get3A_266 = vector.shape_cast %get3A_265 : vector<16xf32> to vector<16xf32>
    %get3A_267 = arith.constant 80 : index
    %get3A_268 = tpu.vector_load %arg7[%get3A_267] {strides = array<i32>} : memref<128xf32, #tpu.memory_space<vmem>>, vector<16xf32>,
    %get3A_269 = vector.shape_cast %get3A_268 : vector<16xf32> to vector<16xf32>
    %get3A_270 = arith.constant 96 : index
    %get3A_271 = tpu.vector_load %arg7[%get3A_270] {strides = array<i32>} : memref<128xf32, #tpu.memory_space<vmem>>, vector<16xf32>,
    %get3A_272 = vector.shape_cast %get3A_271 : vector<16xf32> to vector<16xf32>
    %get3A_273 = arith.constant 112 : index
    %get3A_274 = tpu.vector_load %arg7[%get3A_273] {strides = array<i32>} : memref<128xf32, #tpu.memory_space<vmem>>, vector<16xf32>,
    %get3A_275 = vector.shape_cast %get3A_274 : vector<16xf32> to vector<16xf32>
    %scan3A_276 = arith.constant 0 : i32
    %scan3A_277 = arith.constant 0 : i32
    %scan3A_278 = arith.constant 200 : i32
    %scan3A_279 = arith.addi %scan3A_277, %scan3A_278 : i32
    %scan3A_280 = arith.constant 1 : i32
    scf.for %scan3A_360 = %scan3A_277 to %scan3A_279 step %scan3A_280  : i32 {
      %swap3A = arith.index_cast %scan3A_360 : i32 to index
      %swap3A_361 = arith.constant 128 : index
      %swap3A_362 = tpu.vector_load %arg6[%swap3A, %swap3A_361] {strides = array<i32>} : memref<200x256xf32, #tpu.memory_space<vmem>>, vector<1x16xf32>,
      %swap3A_363 = vector.shape_cast %swap3A_362 : vector<1x16xf32> to vector<16xf32>
      %swap3A_364 = vector.shape_cast %get3A_254 : vector<16xf32> to vector<1x16xf32>
      tpu.vector_store %arg6[%swap3A, %swap3A_361], %swap3A_364 {strides = array<i32>} : memref<200x256xf32, #tpu.memory_space<vmem>>, vector<1x16xf32>,
      %swap3A_365 = arith.index_cast %scan3A_360 : i32 to index
      %swap3A_366 = arith.constant 144 : index
      %swap3A_367 = tpu.vector_load %arg6[%swap3A_365, %swap3A_366] {strides = array<i32>} : memref<200x256xf32, #tpu.memory_space<vmem>>, vector<1x16xf32>,
      %swap3A_368 = vector.shape_cast %swap3A_367 : vector<1x16xf32> to vector<16xf32>
      %swap3A_369 = vector.shape_cast %get3A_257 : vector<16xf32> to vector<1x16xf32>
      tpu.vector_store %arg6[%swap3A_365, %swap3A_366], %swap3A_369 {strides = array<i32>} : memref<200x256xf32, #tpu.memory_space<vmem>>, vector<1x16xf32>,
      %swap3A_370 = arith.index_cast %scan3A_360 : i32 to index
      %swap3A_371 = arith.constant 160 : index
      %swap3A_372 = tpu.vector_load %arg6[%swap3A_370, %swap3A_371] {strides = array<i32>} : memref<200x256xf32, #tpu.memory_space<vmem>>, vector<1x16xf32>,
      %swap3A_373 = vector.shape_cast %swap3A_372 : vector<1x16xf32> to vector<16xf32>
      %swap3A_374 = vector.shape_cast %get3A_260 : vector<16xf32> to vector<1x16xf32>
      tpu.vector_store %arg6[%swap3A_370, %swap3A_371], %swap3A_374 {strides = array<i32>} : memref<200x256xf32, #tpu.memory_space<vmem>>, vector<1x16xf32>,
      %swap3A_375 = arith.index_cast %scan3A_360 : i32 to index
      %swap3A_376 = arith.constant 176 : index
      %swap3A_377 = tpu.vector_load %arg6[%swap3A_375, %swap3A_376] {strides = array<i32>} : memref<200x256xf32, #tpu.memory_space<vmem>>, vector<1x16xf32>,
      %swap3A_378 = vector.shape_cast %swap3A_377 : vector<1x16xf32> to vector<16xf32>
      %swap3A_379 = vector.shape_cast %get3A_263 : vector<16xf32> to vector<1x16xf32>
      tpu.vector_store %arg6[%swap3A_375, %swap3A_376], %swap3A_379 {strides = array<i32>} : memref<200x256xf32, #tpu.memory_space<vmem>>, vector<1x16xf32>,
      %swap3A_380 = arith.index_cast %scan3A_360 : i32 to index
      %swap3A_381 = arith.constant 192 : index
      %swap3A_382 = tpu.vector_load %arg6[%swap3A_380, %swap3A_381] {strides = array<i32>} : memref<200x256xf32, #tpu.memory_space<vmem>>, vector<1x16xf32>,
      %swap3A_383 = vector.shape_cast %swap3A_382 : vector<1x16xf32> to vector<16xf32>
      %swap3A_384 = vector.shape_cast %get3A_266 : vector<16xf32> to vector<1x16xf32>
      tpu.vector_store %arg6[%swap3A_380, %swap3A_381], %swap3A_384 {strides = array<i32>} : memref<200x256xf32, #tpu.memory_space<vmem>>, vector<1x16xf32>,
      %swap3A_385 = arith.index_cast %scan3A_360 : i32 to index
      %swap3A_386 = arith.constant 208 : index
      %swap3A_387 = tpu.vector_load %arg6[%swap3A_385, %swap3A_386] {strides = array<i32>} : memref<200x256xf32, #tpu.memory_space<vmem>>, vector<1x16xf32>,
      %swap3A_388 = vector.shape_cast %swap3A_387 : vector<1x16xf32> to vector<16xf32>
      %swap3A_389 = vector.shape_cast %get3A_269 : vector<16xf32> to vector<1x16xf32>
      tpu.vector_store %arg6[%swap3A_385, %swap3A_386], %swap3A_389 {strides = array<i32>} : memref<200x256xf32, #tpu.memory_space<vmem>>, vector<1x16xf32>,
      %swap3A_390 = arith.index_cast %scan3A_360 : i32 to index
      %swap3A_391 = arith.constant 224 : index
      %swap3A_392 = tpu.vector_load %arg6[%swap3A_390, %swap3A_391] {strides = array<i32>} : memref<200x256xf32, #tpu.memory_space<vmem>>, vector<1x16xf32>,
      %swap3A_393 = vector.shape_cast %swap3A_392 : vector<1x16xf32> to vector<16xf32>
      %swap3A_394 = vector.shape_cast %get3A_272 : vector<16xf32> to vector<1x16xf32>
      tpu.vector_store %arg6[%swap3A_390, %swap3A_391], %swap3A_394 {strides = array<i32>} : memref<200x256xf32, #tpu.memory_space<vmem>>, vector<1x16xf32>,
      %swap3A_395 = arith.index_cast %scan3A_360 : i32 to index
      %swap3A_396 = arith.constant 240 : index
      %swap3A_397 = tpu.vector_load %arg6[%swap3A_395, %swap3A_396] {strides = array<i32>} : memref<200x256xf32, #tpu.memory_space<vmem>>, vector<1x16xf32>,
      %swap3A_398 = vector.shape_cast %swap3A_397 : vector<1x16xf32> to vector<16xf32>
      %swap3A_399 = vector.shape_cast %get3A_275 : vector<16xf32> to vector<1x16xf32>
      tpu.vector_store %arg6[%swap3A_395, %swap3A_396], %swap3A_399 {strides = array<i32>} : memref<200x256xf32, #tpu.memory_space<vmem>>, vector<1x16xf32>,
    }
    %scan3A_281 = arith.constant 200 : i32
    %mul3A_282 = arith.constant 200 : i32
    %mul3A_283 = arith.muli %min3A_249, %mul3A_282 : i32
    %dma_start3A_284 = arith.constant 0 : i32
    %dma_start3A_285 = tpu.memref_slice %arg4[%mul3A_283, %dma_start3A_284] : memref<40000x256xf32, #tpu.memory_space<hbm>> -> memref<200x256xf32, #tpu.memory_space<hbm>>
    %dma_start3A_286 = arith.constant 0 : i32
    %dma_start3A_287 = tpu.memref_slice %arg4[%mul3A_283, %dma_start3A_286] : memref<40000x256xf32, #tpu.memory_space<hbm>> -> memref<200x256xf32, #tpu.memory_space<hbm>>
    tpu.enqueue_dma source(%arg6 : memref<200x256xf32, #tpu.memory_space<vmem>>) target(%dma_start3A_287 : memref<200x256xf32, #tpu.memory_space<hbm>>) target_semaphore(%arg9 : memref<!tpu.dma_semaphore, #tpu.memory_space<semaphore_mem>>)
    %add3A_288 = arith.constant 128 : i32
    %add3A_289 = arith.addi %add3A_288, %add3A : i32
    %min3A_290 = arith.constant 199 : i32
    %min3A_291 = arith.minsi %add3A_289, %min3A_290 : i32
    %mul3A_292 = arith.constant 200 : i32
    %mul3A_293 = arith.muli %min3A_291, %mul3A_292 : i32
    %dma_wait3A_294 = arith.constant 0 : i32
    %dma_wait3A_295 = tpu.memref_slice %arg4[%mul3A_293, %dma_wait3A_294] : memref<40000x256xf32, #tpu.memory_space<hbm>> -> memref<200x256xf32, #tpu.memory_space<hbm>>
    %dma_wait3A_296 = arith.constant 0 : i32
    %dma_wait3A_297 = tpu.memref_slice %arg4[%mul3A_293, %dma_wait3A_296] : memref<40000x256xf32, #tpu.memory_space<hbm>> -> memref<200x256xf32, #tpu.memory_space<hbm>>
    tpu.wait_dma2 semaphore(%arg8 : memref<!tpu.dma_semaphore, #tpu.memory_space<semaphore_mem>>) src(%arg5 : memref<200x256xf32, #tpu.memory_space<vmem>>) dst(%dma_wait3A_297 : memref<200x256xf32, #tpu.memory_space<hbm>>)
    %add3A_298 = arith.constant 192 : i32
    %add3A_299 = arith.addi %add3A_298, %add3A : i32
    %min3A_300 = arith.constant 199 : i32
    %min3A_301 = arith.minsi %add3A_299, %min3A_300 : i32
    %mul3A_302 = arith.constant 128 : i32
    %mul3A_303 = arith.muli %min3A_301, %mul3A_302 : i32
    "tpu.region"() ({
      %run_scoped3A = tpu.sem_alloc : memref<!tpu.dma_semaphore, #tpu.memory_space<semaphore_mem>>
      %dma_start3A_360 = tpu.memref_slice %arg3[%mul3A_303] : memref<25600xf32, #tpu.memory_space<hbm>> -> memref<128xf32, #tpu.memory_space<hbm>>
      %dma_start3A_361 = tpu.memref_slice %arg3[%mul3A_303] : memref<25600xf32, #tpu.memory_space<hbm>> -> memref<128xf32, #tpu.memory_space<hbm>>
      tpu.enqueue_dma source(%dma_start3A_361 : memref<128xf32, #tpu.memory_space<hbm>>) target(%arg7 : memref<128xf32, #tpu.memory_space<vmem>>) target_semaphore(%run_scoped3A : memref<!tpu.dma_semaphore, #tpu.memory_space<semaphore_mem>>)
      %dma_wait3A_362 = tpu.memref_slice %arg3[%mul3A_303] : memref<25600xf32, #tpu.memory_space<hbm>> -> memref<128xf32, #tpu.memory_space<hbm>>
      %dma_wait3A_363 = tpu.memref_slice %arg3[%mul3A_303] : memref<25600xf32, #tpu.memory_space<hbm>> -> memref<128xf32, #tpu.memory_space<hbm>>
      tpu.wait_dma2 semaphore(%run_scoped3A : memref<!tpu.dma_semaphore, #tpu.memory_space<semaphore_mem>>) src(%dma_wait3A_363 : memref<128xf32, #tpu.memory_space<hbm>>) dst(%arg7 : memref<128xf32, #tpu.memory_space<vmem>>)
      tpu.yield
    }) : () -> ()
    %get3A_304 = arith.constant 0 : index
    %get3A_305 = tpu.vector_load %arg7[%get3A_304] {strides = array<i32>} : memref<128xf32, #tpu.memory_space<vmem>>, vector<16xf32>,
    %get3A_306 = vector.shape_cast %get3A_305 : vector<16xf32> to vector<16xf32>
    %get3A_307 = arith.constant 16 : index
    %get3A_308 = tpu.vector_load %arg7[%get3A_307] {strides = array<i32>} : memref<128xf32, #tpu.memory_space<vmem>>, vector<16xf32>,
    %get3A_309 = vector.shape_cast %get3A_308 : vector<16xf32> to vector<16xf32>
    %get3A_310 = arith.constant 32 : index
    %get3A_311 = tpu.vector_load %arg7[%get3A_310] {strides = array<i32>} : memref<128xf32, #tpu.memory_space<vmem>>, vector<16xf32>,
    %get3A_312 = vector.shape_cast %get3A_311 : vector<16xf32> to vector<16xf32>
    %get3A_313 = arith.constant 48 : index
    %get3A_314 = tpu.vector_load %arg7[%get3A_313] {strides = array<i32>} : memref<128xf32, #tpu.memory_space<vmem>>, vector<16xf32>,
    %get3A_315 = vector.shape_cast %get3A_314 : vector<16xf32> to vector<16xf32>
    %get3A_316 = arith.constant 64 : index
    %get3A_317 = tpu.vector_load %arg7[%get3A_316] {strides = array<i32>} : memref<128xf32, #tpu.memory_space<vmem>>, vector<16xf32>,
    %get3A_318 = vector.shape_cast %get3A_317 : vector<16xf32> to vector<16xf32>
    %get3A_319 = arith.constant 80 : index
    %get3A_320 = tpu.vector_load %arg7[%get3A_319] {strides = array<i32>} : memref<128xf32, #tpu.memory_space<vmem>>, vector<16xf32>,
    %get3A_321 = vector.shape_cast %get3A_320 : vector<16xf32> to vector<16xf32>
    %get3A_322 = arith.constant 96 : index
    %get3A_323 = tpu.vector_load %arg7[%get3A_322] {strides = array<i32>} : memref<128xf32, #tpu.memory_space<vmem>>, vector<16xf32>,
    %get3A_324 = vector.shape_cast %get3A_323 : vector<16xf32> to vector<16xf32>
    %get3A_325 = arith.constant 112 : index
    %get3A_326 = tpu.vector_load %arg7[%get3A_325] {strides = array<i32>} : memref<128xf32, #tpu.memory_space<vmem>>, vector<16xf32>,
    %get3A_327 = vector.shape_cast %get3A_326 : vector<16xf32> to vector<16xf32>
    %scan3A_328 = arith.constant 0 : i32
    %scan3A_329 = arith.constant 0 : i32
    %scan3A_330 = arith.constant 200 : i32
    %scan3A_331 = arith.addi %scan3A_329, %scan3A_330 : i32
    %scan3A_332 = arith.constant 1 : i32
    scf.for %scan3A_360 = %scan3A_329 to %scan3A_331 step %scan3A_332  : i32 {
      %swap3A = arith.index_cast %scan3A_360 : i32 to index
      %swap3A_361 = arith.constant 128 : index
      %swap3A_362 = tpu.vector_load %arg5[%swap3A, %swap3A_361] {strides = array<i32>} : memref<200x256xf32, #tpu.memory_space<vmem>>, vector<1x16xf32>,
      %swap3A_363 = vector.shape_cast %swap3A_362 : vector<1x16xf32> to vector<16xf32>
      %swap3A_364 = vector.shape_cast %get3A_306 : vector<16xf32> to vector<1x16xf32>
      tpu.vector_store %arg5[%swap3A, %swap3A_361], %swap3A_364 {strides = array<i32>} : memref<200x256xf32, #tpu.memory_space<vmem>>, vector<1x16xf32>,
      %swap3A_365 = arith.index_cast %scan3A_360 : i32 to index
      %swap3A_366 = arith.constant 144 : index
      %swap3A_367 = tpu.vector_load %arg5[%swap3A_365, %swap3A_366] {strides = array<i32>} : memref<200x256xf32, #tpu.memory_space<vmem>>, vector<1x16xf32>,
      %swap3A_368 = vector.shape_cast %swap3A_367 : vector<1x16xf32> to vector<16xf32>
      %swap3A_369 = vector.shape_cast %get3A_309 : vector<16xf32> to vector<1x16xf32>
      tpu.vector_store %arg5[%swap3A_365, %swap3A_366], %swap3A_369 {strides = array<i32>} : memref<200x256xf32, #tpu.memory_space<vmem>>, vector<1x16xf32>,
      %swap3A_370 = arith.index_cast %scan3A_360 : i32 to index
      %swap3A_371 = arith.constant 160 : index
      %swap3A_372 = tpu.vector_load %arg5[%swap3A_370, %swap3A_371] {strides = array<i32>} : memref<200x256xf32, #tpu.memory_space<vmem>>, vector<1x16xf32>,
      %swap3A_373 = vector.shape_cast %swap3A_372 : vector<1x16xf32> to vector<16xf32>
      %swap3A_374 = vector.shape_cast %get3A_312 : vector<16xf32> to vector<1x16xf32>
      tpu.vector_store %arg5[%swap3A_370, %swap3A_371], %swap3A_374 {strides = array<i32>} : memref<200x256xf32, #tpu.memory_space<vmem>>, vector<1x16xf32>,
      %swap3A_375 = arith.index_cast %scan3A_360 : i32 to index
      %swap3A_376 = arith.constant 176 : index
      %swap3A_377 = tpu.vector_load %arg5[%swap3A_375, %swap3A_376] {strides = array<i32>} : memref<200x256xf32, #tpu.memory_space<vmem>>, vector<1x16xf32>,
      %swap3A_378 = vector.shape_cast %swap3A_377 : vector<1x16xf32> to vector<16xf32>
      %swap3A_379 = vector.shape_cast %get3A_315 : vector<16xf32> to vector<1x16xf32>
      tpu.vector_store %arg5[%swap3A_375, %swap3A_376], %swap3A_379 {strides = array<i32>} : memref<200x256xf32, #tpu.memory_space<vmem>>, vector<1x16xf32>,
      %swap3A_380 = arith.index_cast %scan3A_360 : i32 to index
      %swap3A_381 = arith.constant 192 : index
      %swap3A_382 = tpu.vector_load %arg5[%swap3A_380, %swap3A_381] {strides = array<i32>} : memref<200x256xf32, #tpu.memory_space<vmem>>, vector<1x16xf32>,
      %swap3A_383 = vector.shape_cast %swap3A_382 : vector<1x16xf32> to vector<16xf32>
      %swap3A_384 = vector.shape_cast %get3A_318 : vector<16xf32> to vector<1x16xf32>
      tpu.vector_store %arg5[%swap3A_380, %swap3A_381], %swap3A_384 {strides = array<i32>} : memref<200x256xf32, #tpu.memory_space<vmem>>, vector<1x16xf32>,
      %swap3A_385 = arith.index_cast %scan3A_360 : i32 to index
      %swap3A_386 = arith.constant 208 : index
      %swap3A_387 = tpu.vector_load %arg5[%swap3A_385, %swap3A_386] {strides = array<i32>} : memref<200x256xf32, #tpu.memory_space<vmem>>, vector<1x16xf32>,
      %swap3A_388 = vector.shape_cast %swap3A_387 : vector<1x16xf32> to vector<16xf32>
      %swap3A_389 = vector.shape_cast %get3A_321 : vector<16xf32> to vector<1x16xf32>
      tpu.vector_store %arg5[%swap3A_385, %swap3A_386], %swap3A_389 {strides = array<i32>} : memref<200x256xf32, #tpu.memory_space<vmem>>, vector<1x16xf32>,
      %swap3A_390 = arith.index_cast %scan3A_360 : i32 to index
      %swap3A_391 = arith.constant 224 : index
      %swap3A_392 = tpu.vector_load %arg5[%swap3A_390, %swap3A_391] {strides = array<i32>} : memref<200x256xf32, #tpu.memory_space<vmem>>, vector<1x16xf32>,
      %swap3A_393 = vector.shape_cast %swap3A_392 : vector<1x16xf32> to vector<16xf32>
      %swap3A_394 = vector.shape_cast %get3A_324 : vector<16xf32> to vector<1x16xf32>
      tpu.vector_store %arg5[%swap3A_390, %swap3A_391], %swap3A_394 {strides = array<i32>} : memref<200x256xf32, #tpu.memory_space<vmem>>, vector<1x16xf32>,
      %swap3A_395 = arith.index_cast %scan3A_360 : i32 to index
      %swap3A_396 = arith.constant 240 : index
      %swap3A_397 = tpu.vector_load %arg5[%swap3A_395, %swap3A_396] {strides = array<i32>} : memref<200x256xf32, #tpu.memory_space<vmem>>, vector<1x16xf32>,
      %swap3A_398 = vector.shape_cast %swap3A_397 : vector<1x16xf32> to vector<16xf32>
      %swap3A_399 = vector.shape_cast %get3A_327 : vector<16xf32> to vector<1x16xf32>
      tpu.vector_store %arg5[%swap3A_395, %swap3A_396], %swap3A_399 {strides = array<i32>} : memref<200x256xf32, #tpu.memory_space<vmem>>, vector<1x16xf32>,
    }
    %scan3A_333 = arith.constant 200 : i32
    %mul3A_334 = arith.constant 200 : i32
    %mul3A_335 = arith.muli %min3A_301, %mul3A_334 : i32
    %dma_start3A_336 = arith.constant 0 : i32
    %dma_start3A_337 = tpu.memref_slice %arg4[%mul3A_335, %dma_start3A_336] : memref<40000x256xf32, #tpu.memory_space<hbm>> -> memref<200x256xf32, #tpu.memory_space<hbm>>
    %dma_start3A_338 = arith.constant 0 : i32
    %dma_start3A_339 = tpu.memref_slice %arg4[%mul3A_335, %dma_start3A_338] : memref<40000x256xf32, #tpu.memory_space<hbm>> -> memref<200x256xf32, #tpu.memory_space<hbm>>
    tpu.enqueue_dma source(%arg5 : memref<200x256xf32, #tpu.memory_space<vmem>>) target(%dma_start3A_339 : memref<200x256xf32, #tpu.memory_space<hbm>>) target_semaphore(%arg8 : memref<!tpu.dma_semaphore, #tpu.memory_space<semaphore_mem>>)
    %add3A_340 = arith.constant 160 : i32
    %add3A_341 = arith.addi %add3A_340, %add3A : i32
    %min3A_342 = arith.constant 199 : i32
    %min3A_343 = arith.minsi %add3A_341, %min3A_342 : i32
    %mul3A_344 = arith.constant 200 : i32
    %mul3A_345 = arith.muli %min3A_343, %mul3A_344 : i32
    %dma_wait3A_346 = arith.constant 0 : i32
    %dma_wait3A_347 = tpu.memref_slice %arg4[%mul3A_345, %dma_wait3A_346] : memref<40000x256xf32, #tpu.memory_space<hbm>> -> memref<200x256xf32, #tpu.memory_space<hbm>>
    %dma_wait3A_348 = arith.constant 0 : i32
    %dma_wait3A_349 = tpu.memref_slice %arg4[%mul3A_345, %dma_wait3A_348] : memref<40000x256xf32, #tpu.memory_space<hbm>> -> memref<200x256xf32, #tpu.memory_space<hbm>>
    tpu.wait_dma2 semaphore(%arg9 : memref<!tpu.dma_semaphore, #tpu.memory_space<semaphore_mem>>) src(%arg6 : memref<200x256xf32, #tpu.memory_space<vmem>>) dst(%dma_wait3A_349 : memref<200x256xf32, #tpu.memory_space<hbm>>)
    %add3A_350 = arith.constant 192 : i32
    %add3A_351 = arith.addi %add3A_350, %add3A : i32
    %min3A_352 = arith.constant 199 : i32
    %min3A_353 = arith.minsi %add3A_351, %min3A_352 : i32
    %mul3A_354 = arith.constant 200 : i32
    %mul3A_355 = arith.muli %min3A_353, %mul3A_354 : i32
    %dma_wait3A_356 = arith.constant 0 : i32
    %dma_wait3A_357 = tpu.memref_slice %arg4[%mul3A_355, %dma_wait3A_356] : memref<40000x256xf32, #tpu.memory_space<hbm>> -> memref<200x256xf32, #tpu.memory_space<hbm>>
    %dma_wait3A_358 = arith.constant 0 : i32
    %dma_wait3A_359 = tpu.memref_slice %arg4[%mul3A_355, %dma_wait3A_358] : memref<40000x256xf32, #tpu.memory_space<hbm>> -> memref<200x256xf32, #tpu.memory_space<hbm>>
    tpu.wait_dma2 semaphore(%arg8 : memref<!tpu.dma_semaphore, #tpu.memory_space<semaphore_mem>>) src(%arg5 : memref<200x256xf32, #tpu.memory_space<vmem>>) dst(%dma_wait3A_359 : memref<200x256xf32, #tpu.memory_space<hbm>>)
    return
  }
}

</mosaic_0001>

<sc_bundles>
// kernel: kernel.3.cloned.1.call-start
scs
__scs_entry_jumppad:
0x0: {  	(pc) =	sbr.rel $0x88, $3  }
0x1: {  	(tag) =	ssettag $0x0;
	lr =	simm.s32 $0x1  }
0x2: {  	[smem:$0x3F9F] =	sst lr;
	_ =	strace $0xD0000000  }
0x3: {  	_ = 	snop  }
0x4: {  	_ = 	snop  }
0x5: {  	_ = 	snop  }
0x6: {  	_ = 	snop  }
0x7: {  	_ = 	snop  }
__scs_overlays_trampoline_lowered:
0x8: {  	[smem:$0x3FAE] =	sst s0  }
0x9: {  	[smem:$0x3FAF] =	sst s1  }
0xa: {  	[smem:$0x3FB0] =	sst s2  }
0xb: {  	[smem:$0x3FB1] =	sst s3  }
0xc: {  	[smem:$0x3FB2] =	sst s4  }
0xd: {  	[smem:$0x3FB3] =	sst s5  }
0xe: {  	[smem:$0x3FB4] =	sst s6  }
0xf: {  	[smem:$0x3FB5] =	sst s7  }
0x10: {  	[smem:$0x3FB6] =	sst s8  }
0x11: {  	[smem:$0x3FB7] =	sst s9;
	s0 =	simm.s32 @!p0 $0x0  }
0x12: {  	s1 =	sld [smem:$0x3F9D];
	s0 =	simm.s32 @p0 $0x1  }
0x13: {  	[smem:$0x3FB8] =	sst s0;
	s0 =	simm.s32 @!p1 $0x0  }
0x14: {  	s2 =	sld [smem:$0x3F9C];
	s0 =	simm.s32 @p1 $0x1  }
0x15: {  	[smem:$0x3FB9] =	sst s0;
	s0 =	simm.s32 @!p2 $0x0  }
0x16: {  	s3 =	sld [smem:$0x3FDB];
	s0 =	simm.s32 @p2 $0x1  }
0x17: {  	s4 =	simm.s32 $0x1BF5;
	[smem:$0x3FBB] =	sst s0  }
0x18: {  	s0 =	sld [smem:$0x3F9E];
	_ =	swait.ge [sflag:s4], $0x0  }
0x19: {  	s7 =	sld [smem:$0x3F9F]  }
0x1a: {  	s8 =	sadd.s32 $0xFFFFE003, lr  }
0x1b: {  	s9 =	sadd.s32 $0xFFFFFEF7, lr;
	s5 =	simm.s32 $0xFFFFFFFF;
	p2 =	slt.u32 s8, $0xFFFFF086  }
0x1c: {  	p1 =	slt.u32 s9, $0xF7A;
	s5 =	simm.s32 @!p2 $0x0  }
0x1d: {  	s5 =	simm.s32 @p1 $0x1;
	p0 =	seq.s32 s7, s2  }
0x1e: {  	s7 =	smul.u32 @!p0 $0xF7A, s2;
	p2 =	seq.s32 @!p0 s5, $0x0  }
0x1f: {  	s9 =	smul.u32 $0xF7A, s1;
	s8 =	simm.s32 @!p0 $0x1BF5;
	p2 =	por !p2, p0  }
0x20: {  	[sflag:s8] =	ssyncset.s32 @!p0 $0xFFFFF086;
	s6 =	sadd.s32 @!p0 s3, s7;
	s7 =	simm.s32 @!p0 $0x108  }
0x21: {  	s3 =	sadd.s32 s3, s9;
	s6 =	sadd.s32 @!p0 $0x88, s6;
	s7 =	simm.s32 @p2 $0x1082  }
0x22: {  	[simem:s7], [sflag:s8] =	dma.local @!p0 [hbm:s6], $0xF7A  }
0x23: {  	s9 =	sor.u32 $0xD0000000, s2;
	s6 =	simm.s32 $0x108;
	_ =	swait.ge @!p0 [sflag:s8], $0x0  }
0x24: {  	s3 =	sadd.s32 $0x88, s3;
	s6 =	simm.s32 @!p1 $0x1082;
	[sflag:s4] =	ssyncset.s32 $0xFFFFF086  }
0x25: {  	[simem:s6], [sflag:s4] =	dma.local [hbm:s3], $0xF7A  }
0x26: {  	[smem:$0x3F9F] =	sst s1;
	(tag) =	ssettag s2;
	_ =	strace s9  }
0x27: {  	s1 =	sld [smem:$0x3FAF]  }
0x28: {  	s2 =	sld [smem:$0x3FB0]  }
0x29: {  	s4 =	sld [smem:$0x3FB2]  }
0x2a: {  	p0 =	seq.s32 s5, $0x0;
	s5 =	sld [smem:$0x3FB3]  }
0x2b: {  	s6 =	sld [smem:$0x3FB4]  }
0x2c: {  	s7 =	sld [smem:$0x3FB5]  }
0x2d: {  	s3 =	simm.s32 $0x108;
	s8 =	sld [smem:$0x3FB6]  }
0x2e: {  	s3 =	simm.s32 @!p0 $0x1082;
	s9 =	sld [smem:$0x3FB7]  }
0x2f: {  	lr =	sadd.s32 s0, s3;
	s0 =	sld [smem:$0x3FAE]  }
0x30: {  	s3 =	sld [smem:$0x3FB1]  }
0x31: {  	[smem:$0x3FBA] =	sst s10  }
0x32: {  	s10 =	sld [smem:$0x3FB8];
	_ =	sdelay $0x3  }
0x33: {  	p0 =	seq.s32 s10, $0x1;
	s10 =	sld [smem:$0x3FBA];
	_ =	sdelay $0x3  }
0x34: {  	[smem:$0x3FBA] =	sst s10  }
0x35: {  	s10 =	sld [smem:$0x3FB9];
	_ =	sdelay $0x3  }
0x36: {  	p1 =	seq.s32 s10, $0x1;
	s10 =	sld [smem:$0x3FBA];
	_ =	sdelay $0x3  }
0x37: {  	[smem:$0x3FBA] =	sst s10  }
0x38: {  	s10 =	sld [smem:$0x3FBB]  }
0x39: {  	_ = 	snop;
	(pc) =	sbr.ind lr, $3  }
0x3a: {  	_ = 	snop  }
0x3b: {  	_ = 	snop  }
0x3c: {  	p2 =	seq.s32 s10, $0x1;
	s10 =	sld [smem:$0x3FBA]  }
0x3d: {  	_ =	shalt  }
0x3e: {  	_ =	shalt  }
0x3f: {  	_ =	shalt  }
0x40: {  	_ =	shalt  }
0x41: {  	_ =	shalt  }
0x42: {  	_ =	shalt  }
0x43: {  	_ =	shalt  }
0x44: {  	_ =	shalt  }
0x45: {  	_ =	shalt  }
0x46: {  	_ =	shalt  }
0x47: {  	_ =	shalt  }
0x48: {  	_ =	shalt  }
0x49: {  	_ =	shalt  }
0x4a: {  	_ =	shalt  }
0x4b: {  	_ =	shalt  }
0x4c: {  	_ =	shalt  }
0x4d: {  	_ =	shalt  }
0x4e: {  	_ =	shalt  }
0x4f: {  	_ =	shalt  }
0x50: {  	_ =	shalt  }
0x51: {  	_ =	shalt  }
0x52: {  	_ =	shalt  }
0x53: {  	_ =	shalt  }
0x54: {  	_ =	shalt  }
0x55: {  	_ =	shalt  }
0x56: {  	_ =	shalt  }
0x57: {  	_ =	shalt  }
0x58: {  	_ =	shalt  }
0x59: {  	_ =	shalt  }
0x5a: {  	_ =	shalt  }
0x5b: {  	_ =	shalt  }
0x5c: {  	_ =	shalt  }
0x5d: {  	_ =	shalt  }
0x5e: {  	_ =	shalt  }
0x5f: {  	_ =	shalt  }
0x60: {  	_ =	shalt  }
0x61: {  	_ =	shalt  }
0x62: {  	_ =	shalt  }
0x63: {  	_ =	shalt  }
0x64: {  	_ =	shalt  }
0x65: {  	_ =	shalt  }
0x66: {  	_ =	shalt  }
0x67: {  	_ =	shalt  }
0x68: {  	_ =	shalt  }
0x69: {  	_ =	shalt  }
0x6a: {  	_ =	shalt  }
0x6b: {  	_ =	shalt  }
0x6c: {  	_ =	shalt  }
0x6d: {  	_ =	shalt  }
0x6e: {  	_ =	shalt  }
0x6f: {  	_ =	shalt  }
0x70: {  	_ =	shalt  }
0x71: {  	_ =	shalt  }
0x72: {  	_ =	shalt  }
0x73: {  	_ =	shalt  }
0x74: {  	_ =	shalt  }
0x75: {  	_ =	shalt  }
0x76: {  	_ =	shalt  }
0x77: {  	_ =	shalt  }
0x78: {  	_ =	shalt  }
0x79: {  	_ =	shalt  }
0x7a: {  	_ =	shalt  }
0x7b: {  	_ =	shalt  }
0x7c: {  	_ =	shalt  }
0x7d: {  	_ =	shalt  }
0x7e: {  	_ =	shalt  }
0x7f: {  	_ =	shalt  }
0x80: {  	_ =	shalt  }
0x81: {  	_ =	shalt  }
0x82: {  	_ =	shalt  }
0x83: {  	_ =	shalt  }
0x84: {  	_ =	shalt  }
0x85: {  	_ =	shalt  }
0x86: {  	_ =	shalt  }
0x87: {  	_ =	shalt  }
.Lfunc_end0:
.L_simem_size_0:
called_computation_lowered:
.L_overlay_start_0:
0x88: {  	s2 =	sld [smem:$0x3FD9]  }
0x89: {  	s3 =	sld [smem:$0x3FFE];
	_ =	sdelay $0x1  }
0x8a: {  	s1 =	srdreg.scid  }
0x8b: {  	s0 =	sand.u32 $0x1, s1  }
0x8c: {  	s18 =	sshll.u32 s0, $0xA;
	s2 =	sadd.s32 s3, s2  }
0x8d: {  	s2 =	sadd.s32 s2, s18  }
0x8e: {  	[smem:$0x3FC6] =	sst s2  }
0x8f: {  	_ = 	snop  }
0x90: {  	s2 =	sld [smem:$0x3FC9]  }
0x91: {  	s19 =	sld [smem:$0x3FC8]  }
0x92: {  	s4 =	sld [smem:$0x3FD0];
	(tm) =	ssettm $0x1  }
0x93: {  	s5 =	sld [smem:$0x3FFB];
	_ =	sdelay $0x3  }
0x94: {  	_ =	strace s5  }
0x95: {  	s5 =	sld [smem:$0x3FFC];
	_ =	sdelay $0x3  }
0x96: {  	_ =	strace s5  }
0x97: {  	s5 =	sld [smem:$0x3FFD];
	_ =	sdelay $0x3  }
0x98: {  	_ =	strace s5  }
0x99: {  	_ =	strace $0x8FFFFFFF  }
0x9a: {  	s20 =	sld [smem:$0x3FDB];
	_ =	sdelay $0x1  }
0x9b: {  	s6 =	simm.s32 $_scs_section_size  }
0x9c: {  	s7 =	simm.s32 $_size__tile_overlayer_lowered;
	s8 =	simm.s32 $_tile_overlayer_lowered  }
0x9d: {  	s23 =	simm.s32 $0x1BFF;
	s22 =	sshll.u32 s8, $0x1;
	s5 =	sadd.s32 s6, s20  }
0x9e: {  	s9 =	simm.s32 $0x0;
	s21 =	sshll.u32 s7, $0x1;
	s7 =	sadd.s32 s22, s5  }
0x9f: {  	[timem:s9], [sflag:s23] =	dma.local [hbm:s7], s21  }
0xa0: {  	_ =	swait.ge [sflag:s23], s21  }
0xa1: {  	s6 =	ssub.s32 $0x0, s21;
	[sflag:s23] =	ssyncset.done $0x0  }
0xa2: {  	[sflag:s23] =	ssyncadd.s32 s6;
	_ =	sdelay $0x1  }
0xa3: {  	s24 =	simm.s32 $0x1B8B  }
0xa4: {  	_ =	swait.ge [sflag:s24], $0x1  }
0xa5: {  	[sflag:s24] =	ssyncset.done $0x0  }
0xa6: {  	s25 =	simm.s32 $0x1B8E;
	[sflag:s24] =	ssyncadd.s32 $0xFFFFFFFF  }
0xa7: {  	s26 =	simm.s32 $execute0_lowered;
	[smem:$0x3FD2] =	sst s25  }
0xa8: {  	s6 =	sshll.u32 s26, $0x1;
	_ =	strace $0x80000046;
	[dreg:$0x1] =	wrdreg $0xFFFFFFFF  }
0xa9: {  	s28 =	simm.s32 $_size_execute0_lowered;
	s5 =	sadd.s32 s5, s6;
	[dreg:$0x0] =	wrdreg $0x0  }
0xaa: {  	s6 =	sshll.u32 s28, $0x1;
	[dreg:$0x2] =	wrdreg s5  }
0xab: {  	[dreg:$0x3] =	wrdreg s6  }
0xac: {  	[dreg:$0x4] =	wrdreg $0xC0  }
0xad: {  	_ =	task [dreg:s9], $0x5FFFF  }
0xae: {  	[dreg:$0x1] =	wrdreg $0xFFFFFFFF  }
0xaf: {  	[dreg:$0x0] =	wrdreg $0x60  }
0xb0: {  	[dreg:$0x2] =	wrdreg s19  }
0xb1: {  	[dreg:$0x3] =	wrdreg s2  }
0xb2: {  	[dreg:$0x4] =	wrdreg s4  }
0xb3: {  	[dreg:$0x5] =	wrdreg $0x9  }
0xb4: {  	_ =	task.clear_ibuf [dreg:s9], $0x6FFFF;
	_ =	strace $0x90000046  }
0xb5: {  	s29 =	simm.s32 $0x9;
	_ =	strace $0x80000048  }
0xb6: {  	_ =	swait.ge [sflag:s29], $0x1  }
0xb7: {  	[sflag:s29] =	ssyncadd.s32 $0xFFFFFFFF  }
0xb8: {  	_ =	strace $0x90000048  }
0xb9: {  	_ =	sfence  }
0xba: {  	s30 =	sld [smem:$0x0];
	_ =	sdelay $0x2  }
0xbb: {  	s31 =	sshll.u32 s1, $0xD;
	s1 =	sshrl.u32 s1, $0x2  }
0xbc: {  	s3 =	sand.u32 $0x4000, s31;
	s1 =	sadd.s32 s1, s30  }
0xbd: {  	s0 =	sor.u32 s3, s0;
	s1 =	sshll.u32 s1, $0x11  }
0xbe: {  	s0 =	sor.u32 s1, s0  }
0xbf: {  	s0 =	sadd.s32 $0x8F2B, s0  }
0xc0: {  	[sflag:s0] =	ssyncadd.remote.s32 $0x1  }
0xc1: {  	_ =	sfence.sel $0xFFFF  }
0xc2: {  	[dreg:$0x0] =	wrdreg $0xFFFFFFFF;
	(pc) =	sbr.abs _section_cstart, $3  }
0xc3: {  	[dreg:$0x1] =	wrdreg $0xFFFFFFFF  }
0xc4: {  	_ =	task.clear_ibuf [dreg:s9], $0x2FFFF;
	_ =	strace $0x9FFFFFFF  }
0xc5: {  	(tm) =	ssettm $0x7FFFFFFF  }
tec
execute0_lowered:
.L_overlay_start_1:
0x0: {  	(tag) =	ssettag $0x1  }
0x1: {  	s1 =	rddreg [dreg:$0x0]  }
0x2: {  	s16 =	rddreg [dreg:$0x1]  }
0x3: {  	s17 =	rddreg [dreg:$0x2]  }
0x4: {  	s0 =	rddreg [dreg:$0x3]  }
0x5: {  	s4 =	srdreg.scid;
	s2 =	stileid.u32  }
0x6: {  	s3 =	simm.s32 $0x0;
	s22 =	simm.s32 $0x1;
	s23 =	simm.s32 $0x2  }
0x7: {  	s24 =	simm.s32 $0x0;
	s4 =	sand.u32 $0x1, s4;
	s5 =	sshll.u32 s2, $0x1  }
0x8: {  	[smem:$0x7FF] =	sst s3;
	s6 =	ssub.s32 $0x2, s4;
	s12 =	sor.u32 s4, s5  }
0x9: {  	_ =	strace $0x80000047;
	s25 =	sshrl.u32 s6, $0x1;
	s5 =	smul.u32 $0x1900, s12  }
0xa: {  	s26 =	sshll.u32 s12, $0x4;
	s7 =	sor.u32 $0x20, s12;
	s8 =	sor.u32 $0x40, s12  }
0xb: {  	s11 =	sor.u32 $0x60, s12;
	s28 =	sshll.u32 s7, $0x4;
	s7 =	smul.u32 $0x1900, s7  }
0xc: {  	s14 =	sor.u32 $0x80, s12;
	s15 =	sor.u32 $0xA0, s12;
	s10 =	smul.u32 $0x1900, s8  }
0xd: {  	s19 =	smin.u32 s12, $0x7;
	s18 =	ssub.s32 s6, s25;
	s13 =	smul.u32 $0x1900, s11  }
0xe: {  	s4 =	sadd.s32 s16, s26;
	s30 =	sshll.u32 s14, $0x4;
	s14 =	smul.u32 $0x1900, s14  }
0xf: {  	s9 =	sshll.u32 s8, $0x4;
	s29 =	sshll.u32 s11, $0x4;
	s20 =	smul.u32 $0x1900, s15  }
0x10: {  	s19 =	sor.u32 $0xC0, s19;
	s31 =	sshll.u32 s15, $0x4;
	s5 =	sadd.s32 s17, s5  }
0x11: {  	s6 =	sadd.s32 s16, s28;
	s8 =	sadd.s32 s16, s9;
	s12 =	sadd.s32 s16, s30  }
0x12: {  	s21 =	smul.u32 $0x1900, s19;
	s19 =	sshll.u32 s19, $0x4;
	s18 =	smax.u32 s18, $0x1  }
0x13: {  	s7 =	sadd.s32 s17, s7;
	s9 =	sadd.s32 s17, s10;
	s10 =	sadd.s32 s16, s29  }
0x14: {  	s11 =	sadd.s32 s17, s13;
	s13 =	sadd.s32 s17, s14;
	s14 =	sadd.s32 s16, s31  }
0x15: {  	s15 =	sadd.s32 s17, s20;
	s16 =	sadd.s32 s16, s19;
	s19 =	simm.s32 $0x3  }
0x16: {  	s20 =	simm.s32 $0x19000;
	s17 =	sadd.s32 s17, s21;
	s21 =	simm.s32 $0xC800  }
.LBB2_1:
0x17: {  	s25 =	simm.s32 $0x80  }
0x18: {  	s29 =	sadd.s32 $0x0, s1;
	s26 =	simm.s32 $0x800;
	s28 =	simm.s32 $0x0  }
.LBB2_2:
0x19: {  	[tilespmem:s28], [sflag:$0x3] =	stream.linear.gather [hbm4b:s29+s3], $0x400, $0x38;
	[tilespmem:$0x19080] =	vst v63  }
0x1a: {  	s29 =	smov.u32 s25;
	s28 =	smov.u32 s26;
	p0 =	sne.s32 s25, $0xC00  }
.Ltmp0:
0x1b: {  	s25 =	sadd.s32 $0x80, s25;
	(pc) =	sbr.rel @p0 .LBB2_2-.Ltmp0, $2  }
0x1c: {  	_ =	sdelay $0x2  }
0x1d: {  	s26 =	sadd.s32 $0x800, s26;
	s29 =	sadd.s32 s29, s1  }
0x1e: {  	[tilespmem:s28], [sflag:$0x3] =	stream.linear.gather [hbm4b:s29+s3], $0x400, $0x38;
	[tilespmem:$0x19080] =	vst v63  }
0x1f: {  	_ =	swait.ge [sflag:s19], $0x6400  }
0x20: {  	s25 =	simm.s32 $0xC800;
	s26 =	simm.s32 $0x80;
	[sflag:s19] =	ssyncset.done $0x0  }
0x21: {  	s29 =	sadd.s32 $0x0, s1;
	s28 =	simm.s32 $0xD000;
	[sflag:s19] =	ssyncadd.s32 $0xFFFF9C00  }
.LBB2_4:
0x22: {  	[tilespmem:s25], [sflag:$0x3] =	stream.linear.gather [hbm4b:s29+s3], $0x400, $0x38;
	[tilespmem:$0x19080] =	vst v63  }
0x23: {  	s29 =	smov.u32 s26;
	s25 =	smov.u32 s28;
	p0 =	sne.s32 s26, $0xC00  }
.Ltmp1:
0x24: {  	s26 =	sadd.s32 $0x80, s26;
	(pc) =	sbr.rel @p0 .LBB2_4-.Ltmp1, $2  }
0x25: {  	_ =	sdelay $0x2  }
0x26: {  	s28 =	sadd.s32 $0x800, s28;
	s29 =	sadd.s32 s29, s1  }
0x27: {  	[tilespmem:s25], [sflag:$0x3] =	stream.linear.gather [hbm4b:s29+s3], $0x400, $0x38;
	[tilespmem:$0x19080] =	vst v63  }
0x28: {  	_ =	swait.ge [sflag:s19], $0x6400  }
0x29: {  	[sflag:s19] =	ssyncset.done $0x0  }
0x2a: {  	s31 =	simm.s32 $0x0;
	[sflag:s19] =	ssyncadd.s32 $0xFFFF9C00  }
0x2b: {  	[tilespmem:s20], [sflag:$0x3] =	stream.linear.gather [hbm4b:s4+s31], $0x80, $0x38;
	[tilespmem:$0x19080] =	vst v63  }
0x2c: {  	_ =	swait.ge [sflag:s19], $0x80  }
0x2d: {  	[sflag:s19] =	ssyncset.done $0x0  }
0x2e: {  	[sflag:s19] =	ssyncadd.s32 $0xFFFFFF80  }
0x2f: {  	v0 =	vld [tilespmem:$0x19000]  }
0x30: {  	v1 =	vld [tilespmem:$0x19010]  }
0x31: {  	v7 =	vld [tilespmem:$0x19070]  }
0x32: {  	v2 =	vld [tilespmem:$0x19020]  }
0x33: {  	v3 =	vld [tilespmem:$0x19030]  }
0x34: {  	s26 =	sand.u32 $0xF800, s31;
	s25 =	sand.u32 $0x380, s31;
	v4 =	vld [tilespmem:$0x19040]  }
0x35: {  	s25 =	sor.u32 s25, s26;
	v5 =	vld [tilespmem:$0x19050]  }
0x36: {  	v6 =	vld [tilespmem:$0x19060];
	[tilespmem:s25+$0x470] =	vst v7  }
0x37: {  	[tilespmem:s25+$0x400] =	vst v0  }
0x38: {  	[tilespmem:s25+$0x410] =	vst v1  }
0x39: {  	[tilespmem:s25+$0x420] =	vst v2  }
0x3a: {  	[tilespmem:s25+$0x430] =	vst v3  }
0x3b: {  	s28 =	simm.s32 $0x100;
	s26 =	simm.s32 $0x80;
	[tilespmem:s25+$0x440] =	vst v4  }
0x3c: {  	s29 =	sand.u32 $0xF800, s28;
	s28 =	simm.s32 $0x200;
	s30 =	sand.u32 $0x380, s26;
	[tilespmem:s25+$0x450] =	vst v5  }
.LBB2_6:
0x3d: {  	p0 =	sne.s32 s28, $0xC700;
	[tilespmem:s25+$0x460] =	vst v6;
	s25 =	sor.u32 s30, s29  }
0x3e: {  	[tilespmem:s25+$0x470] =	vst v7  }
0x3f: {  	[tilespmem:s25+$0x400] =	vst v0  }
.Ltmp2:
0x40: {  	[tilespmem:s25+$0x410] =	vst v1;
	(pc) =	sbr.rel @p0 .LBB2_6-.Ltmp2, $4  }
0x41: {  	[tilespmem:s25+$0x420] =	vst v2  }
0x42: {  	[tilespmem:s25+$0x430] =	vst v3  }
0x43: {  	s26 =	sadd.s32 $0x80, s26;
	[tilespmem:s25+$0x440] =	vst v4  }
0x44: {  	s29 =	sand.u32 $0xF800, s28;
	s28 =	sadd.s32 $0x100, s28;
	s30 =	sand.u32 $0x380, s26;
	[tilespmem:s25+$0x450] =	vst v5  }
0x45: {  	s26 =	sor.u32 s30, s29;
	[tilespmem:s25+$0x460] =	vst v6  }
0x46: {  	[tilespmem:s26+$0x470] =	vst v7  }
0x47: {  	[tilespmem:s26+$0x400] =	vst v0  }
0x48: {  	[tilespmem:s26+$0x410] =	vst v1  }
0x49: {  	[tilespmem:s26+$0x420] =	vst v2  }
0x4a: {  	[tilespmem:s26+$0x430] =	vst v3  }
0x4b: {  	[tilespmem:s26+$0x440] =	vst v4  }
0x4c: {  	[tilespmem:s26+$0x450] =	vst v5  }
0x4d: {  	[tilespmem:s26+$0x460] =	vst v6;
	s26 =	simm.s32 $0x0  }
0x4e: {  	[hbm4b:s5+s26] =	stream.linear.scatter [tilespmem:s26], [sflag:$0x1], $0xC800, $0x38;
	[tilespmem:$0x19080] =	vst v63  }
0x4f: {  	_ = 	snop  }
0x50: {  	[tilespmem:s20], [sflag:$0x3] =	stream.linear.gather [hbm4b:s6+s26], $0x80, $0x38;
	[tilespmem:$0x19080] =	vst v63  }
0x51: {  	_ =	swait.ge [sflag:s19], $0x80  }
0x52: {  	[sflag:s19] =	ssyncset.done $0x0  }
0x53: {  	[sflag:s19] =	ssyncadd.s32 $0xFFFFFF80  }
0x54: {  	v0 =	vld [tilespmem:$0x19000]  }
0x55: {  	v1 =	vld [tilespmem:$0x19010]  }
0x56: {  	v7 =	vld [tilespmem:$0x19070]  }
0x57: {  	v2 =	vld [tilespmem:$0x19020]  }
0x58: {  	v3 =	vld [tilespmem:$0x19030]  }
0x59: {  	s31 =	sand.u32 $0xF800, s26;
	s25 =	sand.u32 $0x380, s26;
	v4 =	vld [tilespmem:$0x19040]  }
0x5a: {  	s25 =	sor.u32 s25, s31;
	v5 =	vld [tilespmem:$0x19050]  }
0x5b: {  	v6 =	vld [tilespmem:$0x19060];
	[tilespmem:s25+$0xCC70] =	vst v7  }
0x5c: {  	[tilespmem:s25+$0xCC00] =	vst v0  }
0x5d: {  	[tilespmem:s25+$0xCC10] =	vst v1  }
0x5e: {  	[tilespmem:s25+$0xCC20] =	vst v2  }
0x5f: {  	[tilespmem:s25+$0xCC30] =	vst v3  }
0x60: {  	s28 =	simm.s32 $0x100;
	s26 =	simm.s32 $0x80;
	[tilespmem:s25+$0xCC40] =	vst v4  }
0x61: {  	s29 =	sand.u32 $0xF800, s28;
	s28 =	simm.s32 $0x200;
	s30 =	sand.u32 $0x380, s26;
	[tilespmem:s25+$0xCC50] =	vst v5  }
.LBB2_8:
0x62: {  	p0 =	sne.s32 s28, $0xC700;
	[tilespmem:s25+$0xCC60] =	vst v6;
	s25 =	sor.u32 s30, s29  }
0x63: {  	[tilespmem:s25+$0xCC70] =	vst v7  }
0x64: {  	[tilespmem:s25+$0xCC00] =	vst v0  }
.Ltmp3:
0x65: {  	[tilespmem:s25+$0xCC10] =	vst v1;
	(pc) =	sbr.rel @p0 .LBB2_8-.Ltmp3, $4  }
0x66: {  	[tilespmem:s25+$0xCC20] =	vst v2  }
0x67: {  	[tilespmem:s25+$0xCC30] =	vst v3  }
0x68: {  	s26 =	sadd.s32 $0x80, s26;
	[tilespmem:s25+$0xCC40] =	vst v4  }
0x69: {  	s29 =	sand.u32 $0xF800, s28;
	s28 =	sadd.s32 $0x100, s28;
	s30 =	sand.u32 $0x380, s26;
	[tilespmem:s25+$0xCC50] =	vst v5  }
0x6a: {  	s26 =	sor.u32 s30, s29;
	[tilespmem:s25+$0xCC60] =	vst v6  }
0x6b: {  	[tilespmem:s26+$0xCC70] =	vst v7  }
0x6c: {  	[tilespmem:s26+$0xCC00] =	vst v0  }
0x6d: {  	[tilespmem:s26+$0xCC10] =	vst v1  }
0x6e: {  	[tilespmem:s26+$0xCC20] =	vst v2  }
0x6f: {  	[tilespmem:s26+$0xCC30] =	vst v3  }
0x70: {  	[tilespmem:s26+$0xCC40] =	vst v4  }
0x71: {  	[tilespmem:s26+$0xCC50] =	vst v5  }
0x72: {  	[tilespmem:s26+$0xCC60] =	vst v6;
	s26 =	simm.s32 $0x0  }
0x73: {  	[hbm4b:s7+s26] =	stream.linear.scatter [tilespmem:s21], [sflag:$0x2], $0xC800, $0x38;
	[tilespmem:$0x19080] =	vst v63  }
0x74: {  	_ =	swait.ge [sflag:s22], $0xC800  }
0x75: {  	[sflag:s22] =	ssyncset.done $0x0  }
0x76: {  	[sflag:s22] =	ssyncadd.s32 $0xFFFF3800  }
0x77: {  	[tilespmem:s20], [sflag:$0x3] =	stream.linear.gather [hbm4b:s8+s26], $0x80, $0x38;
	[tilespmem:$0x19080] =	vst v63  }
0x78: {  	_ =	swait.ge [sflag:s19], $0x80  }
0x79: {  	[sflag:s19] =	ssyncset.done $0x0  }
0x7a: {  	[sflag:s19] =	ssyncadd.s32 $0xFFFFFF80  }
0x7b: {  	v0 =	vld [tilespmem:$0x19000]  }
0x7c: {  	v1 =	vld [tilespmem:$0x19010]  }
0x7d: {  	v7 =	vld [tilespmem:$0x19070]  }
0x7e: {  	v2 =	vld [tilespmem:$0x19020]  }
0x7f: {  	v3 =	vld [tilespmem:$0x19030]  }
0x80: {  	s31 =	sand.u32 $0xF800, s26;
	s25 =	sand.u32 $0x380, s26;
	v4 =	vld [tilespmem:$0x19040]  }
0x81: {  	s25 =	sor.u32 s25, s31;
	v5 =	vld [tilespmem:$0x19050]  }
0x82: {  	v6 =	vld [tilespmem:$0x19060];
	[tilespmem:s25+$0x470] =	vst v7  }
0x83: {  	[tilespmem:s25+$0x400] =	vst v0  }
0x84: {  	[tilespmem:s25+$0x410] =	vst v1  }
0x85: {  	[tilespmem:s25+$0x420] =	vst v2  }
0x86: {  	[tilespmem:s25+$0x430] =	vst v3  }
0x87: {  	s28 =	simm.s32 $0x100;
	s26 =	simm.s32 $0x80;
	[tilespmem:s25+$0x440] =	vst v4  }
0x88: {  	s29 =	sand.u32 $0xF800, s28;
	s28 =	simm.s32 $0x200;
	s30 =	sand.u32 $0x380, s26;
	[tilespmem:s25+$0x450] =	vst v5  }
.LBB2_10:
0x89: {  	p0 =	sne.s32 s28, $0xC700;
	[tilespmem:s25+$0x460] =	vst v6;
	s25 =	sor.u32 s30, s29  }
0x8a: {  	[tilespmem:s25+$0x470] =	vst v7  }
0x8b: {  	[tilespmem:s25+$0x400] =	vst v0  }
.Ltmp4:
0x8c: {  	[tilespmem:s25+$0x410] =	vst v1;
	(pc) =	sbr.rel @p0 .LBB2_10-.Ltmp4, $4  }
0x8d: {  	[tilespmem:s25+$0x420] =	vst v2  }
0x8e: {  	[tilespmem:s25+$0x430] =	vst v3  }
0x8f: {  	s26 =	sadd.s32 $0x80, s26;
	[tilespmem:s25+$0x440] =	vst v4  }
0x90: {  	s29 =	sand.u32 $0xF800, s28;
	s28 =	sadd.s32 $0x100, s28;
	s30 =	sand.u32 $0x380, s26;
	[tilespmem:s25+$0x450] =	vst v5  }
0x91: {  	s26 =	sor.u32 s30, s29;
	[tilespmem:s25+$0x460] =	vst v6  }
0x92: {  	[tilespmem:s26+$0x470] =	vst v7  }
0x93: {  	[tilespmem:s26+$0x400] =	vst v0  }
0x94: {  	[tilespmem:s26+$0x410] =	vst v1  }
0x95: {  	[tilespmem:s26+$0x420] =	vst v2  }
0x96: {  	[tilespmem:s26+$0x430] =	vst v3  }
0x97: {  	[tilespmem:s26+$0x440] =	vst v4  }
0x98: {  	[tilespmem:s26+$0x450] =	vst v5  }
0x99: {  	[tilespmem:s26+$0x460] =	vst v6;
	s26 =	simm.s32 $0x0  }
0x9a: {  	[hbm4b:s9+s26] =	stream.linear.scatter [tilespmem:s26], [sflag:$0x1], $0xC800, $0x38;
	[tilespmem:$0x19080] =	vst v63  }
0x9b: {  	_ =	swait.ge [sflag:s23], $0xC800  }
0x9c: {  	[sflag:s23] =	ssyncset.done $0x0  }
0x9d: {  	[sflag:s23] =	ssyncadd.s32 $0xFFFF3800  }
0x9e: {  	[tilespmem:s20], [sflag:$0x3] =	stream.linear.gather [hbm4b:s10+s26], $0x80, $0x38;
	[tilespmem:$0x19080] =	vst v63  }
0x9f: {  	_ =	swait.ge [sflag:s19], $0x80  }
0xa0: {  	[sflag:s19] =	ssyncset.done $0x0  }
0xa1: {  	[sflag:s19] =	ssyncadd.s32 $0xFFFFFF80  }
0xa2: {  	v0 =	vld [tilespmem:$0x19000]  }
0xa3: {  	v1 =	vld [tilespmem:$0x19010]  }
0xa4: {  	v7 =	vld [tilespmem:$0x19070]  }
0xa5: {  	v2 =	vld [tilespmem:$0x19020]  }
0xa6: {  	v3 =	vld [tilespmem:$0x19030]  }
0xa7: {  	s31 =	sand.u32 $0xF800, s26;
	s25 =	sand.u32 $0x380, s26;
	v4 =	vld [tilespmem:$0x19040]  }
0xa8: {  	s25 =	sor.u32 s25, s31;
	v5 =	vld [tilespmem:$0x19050]  }
0xa9: {  	v6 =	vld [tilespmem:$0x19060];
	[tilespmem:s25+$0xCC70] =	vst v7  }
0xaa: {  	[tilespmem:s25+$0xCC00] =	vst v0  }
0xab: {  	[tilespmem:s25+$0xCC10] =	vst v1  }
0xac: {  	[tilespmem:s25+$0xCC20] =	vst v2  }
0xad: {  	[tilespmem:s25+$0xCC30] =	vst v3  }
0xae: {  	s28 =	simm.s32 $0x100;
	s26 =	simm.s32 $0x80;
	[tilespmem:s25+$0xCC40] =	vst v4  }
0xaf: {  	s29 =	sand.u32 $0xF800, s28;
	s28 =	simm.s32 $0x200;
	s30 =	sand.u32 $0x380, s26;
	[tilespmem:s25+$0xCC50] =	vst v5  }
.LBB2_12:
0xb0: {  	p0 =	sne.s32 s28, $0xC700;
	[tilespmem:s25+$0xCC60] =	vst v6;
	s25 =	sor.u32 s30, s29  }
0xb1: {  	[tilespmem:s25+$0xCC70] =	vst v7  }
0xb2: {  	[tilespmem:s25+$0xCC00] =	vst v0  }
.Ltmp5:
0xb3: {  	[tilespmem:s25+$0xCC10] =	vst v1;
	(pc) =	sbr.rel @p0 .LBB2_12-.Ltmp5, $4  }
0xb4: {  	[tilespmem:s25+$0xCC20] =	vst v2  }
0xb5: {  	[tilespmem:s25+$0xCC30] =	vst v3  }
0xb6: {  	s26 =	sadd.s32 $0x80, s26;
	[tilespmem:s25+$0xCC40] =	vst v4  }
0xb7: {  	s29 =	sand.u32 $0xF800, s28;
	s28 =	sadd.s32 $0x100, s28;
	s30 =	sand.u32 $0x380, s26;
	[tilespmem:s25+$0xCC50] =	vst v5  }
0xb8: {  	s26 =	sor.u32 s30, s29;
	[tilespmem:s25+$0xCC60] =	vst v6  }
0xb9: {  	[tilespmem:s26+$0xCC70] =	vst v7  }
0xba: {  	[tilespmem:s26+$0xCC00] =	vst v0  }
0xbb: {  	[tilespmem:s26+$0xCC10] =	vst v1  }
0xbc: {  	[tilespmem:s26+$0xCC20] =	vst v2  }
0xbd: {  	[tilespmem:s26+$0xCC30] =	vst v3  }
0xbe: {  	[tilespmem:s26+$0xCC40] =	vst v4  }
0xbf: {  	[tilespmem:s26+$0xCC50] =	vst v5  }
0xc0: {  	[tilespmem:s26+$0xCC60] =	vst v6;
	s26 =	simm.s32 $0x0  }
0xc1: {  	[hbm4b:s11+s26] =	stream.linear.scatter [tilespmem:s21], [sflag:$0x2], $0xC800, $0x38;
	[tilespmem:$0x19080] =	vst v63  }
0xc2: {  	_ =	swait.ge [sflag:s22], $0xC800  }
0xc3: {  	[sflag:s22] =	ssyncset.done $0x0  }
0xc4: {  	[sflag:s22] =	ssyncadd.s32 $0xFFFF3800  }
0xc5: {  	[tilespmem:s20], [sflag:$0x3] =	stream.linear.gather [hbm4b:s12+s26], $0x80, $0x38;
	[tilespmem:$0x19080] =	vst v63  }
0xc6: {  	_ =	swait.ge [sflag:s19], $0x80  }
0xc7: {  	[sflag:s19] =	ssyncset.done $0x0  }
0xc8: {  	[sflag:s19] =	ssyncadd.s32 $0xFFFFFF80  }
0xc9: {  	v0 =	vld [tilespmem:$0x19000]  }
0xca: {  	v1 =	vld [tilespmem:$0x19010]  }
0xcb: {  	v7 =	vld [tilespmem:$0x19070]  }
0xcc: {  	v2 =	vld [tilespmem:$0x19020]  }
0xcd: {  	v3 =	vld [tilespmem:$0x19030]  }
0xce: {  	s31 =	sand.u32 $0xF800, s26;
	s25 =	sand.u32 $0x380, s26;
	v4 =	vld [tilespmem:$0x19040]  }
0xcf: {  	s25 =	sor.u32 s25, s31;
	v5 =	vld [tilespmem:$0x19050]  }
0xd0: {  	v6 =	vld [tilespmem:$0x19060];
	[tilespmem:s25+$0x470] =	vst v7  }
0xd1: {  	[tilespmem:s25+$0x400] =	vst v0  }
0xd2: {  	[tilespmem:s25+$0x410] =	vst v1  }
0xd3: {  	[tilespmem:s25+$0x420] =	vst v2  }
0xd4: {  	[tilespmem:s25+$0x430] =	vst v3  }
0xd5: {  	s28 =	simm.s32 $0x100;
	s26 =	simm.s32 $0x80;
	[tilespmem:s25+$0x440] =	vst v4  }
0xd6: {  	s29 =	sand.u32 $0xF800, s28;
	s28 =	simm.s32 $0x200;
	s30 =	sand.u32 $0x380, s26;
	[tilespmem:s25+$0x450] =	vst v5  }
.LBB2_14:
0xd7: {  	p0 =	sne.s32 s28, $0xC700;
	[tilespmem:s25+$0x460] =	vst v6;
	s25 =	sor.u32 s30, s29  }
0xd8: {  	[tilespmem:s25+$0x470] =	vst v7  }
0xd9: {  	[tilespmem:s25+$0x400] =	vst v0  }
.Ltmp6:
0xda: {  	[tilespmem:s25+$0x410] =	vst v1;
	(pc) =	sbr.rel @p0 .LBB2_14-.Ltmp6, $4  }
0xdb: {  	[tilespmem:s25+$0x420] =	vst v2  }
0xdc: {  	[tilespmem:s25+$0x430] =	vst v3  }
0xdd: {  	s26 =	sadd.s32 $0x80, s26;
	[tilespmem:s25+$0x440] =	vst v4  }
0xde: {  	s29 =	sand.u32 $0xF800, s28;
	s28 =	sadd.s32 $0x100, s28;
	s30 =	sand.u32 $0x380, s26;
	[tilespmem:s25+$0x450] =	vst v5  }
0xdf: {  	s26 =	sor.u32 s30, s29;
	[tilespmem:s25+$0x460] =	vst v6  }
0xe0: {  	[tilespmem:s26+$0x470] =	vst v7  }
0xe1: {  	[tilespmem:s26+$0x400] =	vst v0  }
0xe2: {  	[tilespmem:s26+$0x410] =	vst v1  }
0xe3: {  	[tilespmem:s26+$0x420] =	vst v2  }
0xe4: {  	[tilespmem:s26+$0x430] =	vst v3  }
0xe5: {  	[tilespmem:s26+$0x440] =	vst v4  }
0xe6: {  	[tilespmem:s26+$0x450] =	vst v5  }
0xe7: {  	[tilespmem:s26+$0x460] =	vst v6;
	s26 =	simm.s32 $0x0  }
0xe8: {  	[hbm4b:s13+s26] =	stream.linear.scatter [tilespmem:s26], [sflag:$0x1], $0xC800, $0x38;
	[tilespmem:$0x19080] =	vst v63  }
0xe9: {  	_ =	swait.ge [sflag:s23], $0xC800  }
0xea: {  	[sflag:s23] =	ssyncset.done $0x0  }
0xeb: {  	[sflag:s23] =	ssyncadd.s32 $0xFFFF3800  }
0xec: {  	[tilespmem:s20], [sflag:$0x3] =	stream.linear.gather [hbm4b:s14+s26], $0x80, $0x38;
	[tilespmem:$0x19080] =	vst v63  }
0xed: {  	_ =	swait.ge [sflag:s19], $0x80  }
0xee: {  	[sflag:s19] =	ssyncset.done $0x0  }
0xef: {  	[sflag:s19] =	ssyncadd.s32 $0xFFFFFF80  }
0xf0: {  	v0 =	vld [tilespmem:$0x19000]  }
0xf1: {  	v1 =	vld [tilespmem:$0x19010]  }
0xf2: {  	v7 =	vld [tilespmem:$0x19070]  }
0xf3: {  	v2 =	vld [tilespmem:$0x19020]  }
0xf4: {  	v3 =	vld [tilespmem:$0x19030]  }
0xf5: {  	s31 =	sand.u32 $0xF800, s26;
	s25 =	sand.u32 $0x380, s26;
	v4 =	vld [tilespmem:$0x19040]  }
0xf6: {  	s25 =	sor.u32 s25, s31;
	v5 =	vld [tilespmem:$0x19050]  }
0xf7: {  	v6 =	vld [tilespmem:$0x19060];
	[tilespmem:s25+$0xCC70] =	vst v7  }
0xf8: {  	[tilespmem:s25+$0xCC00] =	vst v0  }
0xf9: {  	[tilespmem:s25+$0xCC10] =	vst v1  }
0xfa: {  	[tilespmem:s25+$0xCC20] =	vst v2  }
0xfb: {  	[tilespmem:s25+$0xCC30] =	vst v3  }
0xfc: {  	s28 =	simm.s32 $0x100;
	s26 =	simm.s32 $0x80;
	[tilespmem:s25+$0xCC40] =	vst v4  }
0xfd: {  	s29 =	sand.u32 $0xF800, s28;
	s28 =	simm.s32 $0x200;
	s30 =	sand.u32 $0x380, s26;
	[tilespmem:s25+$0xCC50] =	vst v5  }
.LBB2_16:
0xfe: {  	p0 =	sne.s32 s28, $0xC700;
	[tilespmem:s25+$0xCC60] =	vst v6;
	s25 =	sor.u32 s30, s29  }
0xff: {  	[tilespmem:s25+$0xCC70] =	vst v7  }
0x100: {  	[tilespmem:s25+$0xCC00] =	vst v0  }
.Ltmp7:
0x101: {  	[tilespmem:s25+$0xCC10] =	vst v1;
	(pc) =	sbr.rel @p0 .LBB2_16-.Ltmp7, $4  }
0x102: {  	[tilespmem:s25+$0xCC20] =	vst v2  }
0x103: {  	[tilespmem:s25+$0xCC30] =	vst v3  }
0x104: {  	s26 =	sadd.s32 $0x80, s26;
	[tilespmem:s25+$0xCC40] =	vst v4  }
0x105: {  	s29 =	sand.u32 $0xF800, s28;
	s28 =	sadd.s32 $0x100, s28;
	s30 =	sand.u32 $0x380, s26;
	[tilespmem:s25+$0xCC50] =	vst v5  }
0x106: {  	s26 =	sor.u32 s30, s29;
	[tilespmem:s25+$0xCC60] =	vst v6  }
0x107: {  	[tilespmem:s26+$0xCC70] =	vst v7  }
0x108: {  	[tilespmem:s26+$0xCC00] =	vst v0  }
0x109: {  	[tilespmem:s26+$0xCC10] =	vst v1  }
0x10a: {  	[tilespmem:s26+$0xCC20] =	vst v2  }
0x10b: {  	[tilespmem:s26+$0xCC30] =	vst v3  }
0x10c: {  	[tilespmem:s26+$0xCC40] =	vst v4  }
0x10d: {  	[tilespmem:s26+$0xCC50] =	vst v5  }
0x10e: {  	[tilespmem:s26+$0xCC60] =	vst v6;
	s26 =	simm.s32 $0x0  }
0x10f: {  	[hbm4b:s15+s26] =	stream.linear.scatter [tilespmem:s21], [sflag:$0x2], $0xC800, $0x38;
	[tilespmem:$0x19080] =	vst v63  }
0x110: {  	_ =	swait.ge [sflag:s22], $0xC800  }
0x111: {  	[sflag:s22] =	ssyncset.done $0x0  }
0x112: {  	[sflag:s22] =	ssyncadd.s32 $0xFFFF3800  }
0x113: {  	[tilespmem:s20], [sflag:$0x3] =	stream.linear.gather [hbm4b:s16+s26], $0x80, $0x38;
	[tilespmem:$0x19080] =	vst v63  }
0x114: {  	_ =	swait.ge [sflag:s19], $0x80  }
0x115: {  	[sflag:s19] =	ssyncset.done $0x0  }
0x116: {  	[sflag:s19] =	ssyncadd.s32 $0xFFFFFF80  }
0x117: {  	v0 =	vld [tilespmem:$0x19000]  }
0x118: {  	v1 =	vld [tilespmem:$0x19010]  }
0x119: {  	v7 =	vld [tilespmem:$0x19070]  }
0x11a: {  	v2 =	vld [tilespmem:$0x19020]  }
0x11b: {  	v3 =	vld [tilespmem:$0x19030]  }
0x11c: {  	s31 =	sand.u32 $0xF800, s26;
	s25 =	sand.u32 $0x380, s26;
	v4 =	vld [tilespmem:$0x19040]  }
0x11d: {  	s25 =	sor.u32 s25, s31;
	v5 =	vld [tilespmem:$0x19050]  }
0x11e: {  	v6 =	vld [tilespmem:$0x19060];
	[tilespmem:s25+$0x470] =	vst v7  }
0x11f: {  	[tilespmem:s25+$0x400] =	vst v0  }
0x120: {  	[tilespmem:s25+$0x410] =	vst v1  }
0x121: {  	[tilespmem:s25+$0x420] =	vst v2  }
0x122: {  	[tilespmem:s25+$0x430] =	vst v3  }
0x123: {  	s28 =	simm.s32 $0x100;
	s26 =	simm.s32 $0x80;
	[tilespmem:s25+$0x440] =	vst v4  }
0x124: {  	s29 =	sand.u32 $0xF800, s28;
	s28 =	simm.s32 $0x200;
	s30 =	sand.u32 $0x380, s26;
	[tilespmem:s25+$0x450] =	vst v5  }
.LBB2_18:
0x125: {  	p0 =	sne.s32 s28, $0xC700;
	[tilespmem:s25+$0x460] =	vst v6;
	s25 =	sor.u32 s30, s29  }
0x126: {  	[tilespmem:s25+$0x470] =	vst v7  }
0x127: {  	[tilespmem:s25+$0x400] =	vst v0  }
.Ltmp8:
0x128: {  	[tilespmem:s25+$0x410] =	vst v1;
	(pc) =	sbr.rel @p0 .LBB2_18-.Ltmp8, $4  }
0x129: {  	[tilespmem:s25+$0x420] =	vst v2  }
0x12a: {  	[tilespmem:s25+$0x430] =	vst v3  }
0x12b: {  	s26 =	sadd.s32 $0x80, s26;
	[tilespmem:s25+$0x440] =	vst v4  }
0x12c: {  	s29 =	sand.u32 $0xF800, s28;
	s28 =	sadd.s32 $0x100, s28;
	s30 =	sand.u32 $0x380, s26;
	[tilespmem:s25+$0x450] =	vst v5  }
0x12d: {  	s26 =	sor.u32 s30, s29;
	[tilespmem:s25+$0x460] =	vst v6  }
0x12e: {  	[tilespmem:s26+$0x470] =	vst v7  }
0x12f: {  	[tilespmem:s26+$0x400] =	vst v0  }
0x130: {  	[tilespmem:s26+$0x410] =	vst v1  }
0x131: {  	[tilespmem:s26+$0x420] =	vst v2  }
0x132: {  	[tilespmem:s26+$0x430] =	vst v3  }
0x133: {  	[tilespmem:s26+$0x440] =	vst v4  }
0x134: {  	[tilespmem:s26+$0x450] =	vst v5  }
0x135: {  	s24 =	sadd.s32 $0x1, s24;
	[tilespmem:s26+$0x460] =	vst v6  }
0x136: {  	[hbm4b:s17+s3] =	stream.linear.scatter [tilespmem:s3], [sflag:$0x1], $0xC800, $0x38;
	[tilespmem:$0x19080] =	vst v63  }
0x137: {  	p0 =	sne.s32 s24, s18;
	_ =	swait.ge [sflag:s23], $0xC800  }
.Ltmp9:
0x138: {  	[sflag:s23] =	ssyncset.done $0x0;
	(pc) =	sbr.rel @p0 .LBB2_1-.Ltmp9, $4  }
0x139: {  	[sflag:s23] =	ssyncadd.s32 $0xFFFF3800  }
0x13a: {  	_ =	swait.ge [sflag:s22], $0xC800  }
0x13b: {  	[sflag:s22] =	ssyncset.done $0x0  }
0x13c: {  	[sflag:s22] =	ssyncadd.s32 $0xFFFF3800  }
0x13d: {  	_ =	sfence.sel $0x180000  }
0x13e: {  	[bflag:$0x0] =	sbarrier.arrive $0xFFFF  }
0x13f: {  	p0 =	sne.s32 s2, $0x0;
	_ =	strace $0x90000047  }
0x140: {  	s0 =	sadd.s32 @!p0 $0x100000, s0;
	[bflag:$0x2] =	sbarrier.arrive $0xFFFF  }
0x141: {  	[sflag:s0] =	ssyncadd.tile.s32 @!p0 $0x1;
	_ =	shalt  }
.Lfunc_end2:
_tile_overlayer_lowered:
.L_overlay_start_2:
0x142: {  	(tag) =	ssettag $0x2  }
0x143: {  	s0 =	rddreg [dreg:$0x0];
	s2 =	stileid.u32  }
0x144: {  	s1 =	rddreg [dreg:$0x1];
	p0 =	sne.s32 s2, $0x0  }
0x145: {  	s3 =	rddreg [dreg:$0x2];
	[bflag:$0x3] =	sbarrier.arrive $0xFFFF;
	s2 =	simm.s32 @!p0 $0x1C03  }
0x146: {  	[timem:s3], [sflag:s2] =	dma.local @!p0 [hbm:s0], s1  }
0x147: {  	s0 =	simm.s32 @!p0 $0x3  }
0x148: {  	_ =	swait.ge @!p0 [sflag:s0], s1  }
0x149: {  	s1 =	ssub.s32 @!p0 $0x0, s1;
	[sflag:s0] =	ssyncset.done @!p0 $0x0  }
0x14a: {  	[sflag:s0] =	ssyncadd.s32 @!p0 s1  }
0x14b: {  	[bflag:$0x3] =	sbarrier.arrive $0xFFFF  }
0x14c: {  	_ =	shalt  }

</sc_bundles>
